<compile_context>
chip_gen: v7x
topology: tpu7x:2x2x1
jax: 0.10.2.dev20260603
libtpu: 0.0.44.dev20260713+nightly
codegen_flags: <defaults>
</compile_context>

<pallas_src>
import functools

import jax
import jax.numpy as jnp
from jax import lax
from jax.experimental import pallas as pl
from jax.experimental.pallas import tpu as pltpu
from jax.experimental.pallas import tpu_sc as plsc

N_NODES = 100000
HIDDEN = 128
NVOCAB = 100
BLOCK = 200
NW = 32
NBUF = 4


def _gather_sc(graph, emb):
    n = graph.shape[0]
    nblock = n // BLOCK
    nb_hi = -(-nblock // NW)
    n_hi = nblock - NW * (nb_hi - 1)
    assert n % BLOCK == 0 and nb_hi % NBUF == 0 and nb_hi >= NBUF

    info = plsc.get_sparse_core_info()
    mesh = plsc.VectorSubcoreMesh(core_axis_name="c", subcore_axis_name="s")

    @functools.partial(
        pl.kernel,
        mesh=mesh,
        out_type=jax.ShapeDtypeStruct((n, HIDDEN), jnp.float32),
        scratch_types=[
            pltpu.VMEM((nb_hi * BLOCK,), jnp.int32),
            pltpu.VMEM((NBUF, BLOCK, HIDDEN), jnp.float32),
            pltpu.VMEM_SHARED((NVOCAB, HIDDEN), jnp.float32),
        ] + [pltpu.SemaphoreType.DMA] * (2 * NBUF),
    )
    def k(emb_hbm, idx_hbm, out_hbm, idx_v, rows_v, table_sh, *sems):
        gsems, ssems = sems[:NBUF], sems[NBUF:]
        sid = lax.axis_index("s")
        wid = sid * info.num_cores + lax.axis_index("c")
        start = nb_hi * wid - jnp.maximum(wid - n_hi, 0)
        nb = jnp.where(wid < n_hi, nb_hi, nb_hi - 1)

        @pl.when(sid == 0)
        def _():
            pltpu.sync_copy(emb_hbm.at[0], table_sh)

        @pl.when(wid < n_hi)
        def _():
            pltpu.sync_copy(
                idx_hbm.at[pl.ds(pl.multiple_of(start * BLOCK, 8), nb_hi * BLOCK)],
                idx_v.at[pl.ds(0, nb_hi * BLOCK)])

        @pl.when(wid >= n_hi)
        def _():
            pltpu.sync_copy(
                idx_hbm.at[pl.ds(pl.multiple_of(start * BLOCK, 8), (nb_hi - 1) * BLOCK)],
                idx_v.at[pl.ds(0, (nb_hi - 1) * BLOCK)])
        plsc.subcore_barrier()

        def gather(b, j):
            return pltpu.make_async_copy(
                table_sh.at[idx_v.at[pl.ds(pl.multiple_of(b * BLOCK, 8), BLOCK)]],
                rows_v.at[j],
                gsems[j])

        def store(b, j):
            return pltpu.make_async_copy(
                rows_v.at[j],
                out_hbm.at[pl.ds(pl.multiple_of((start + b) * BLOCK, 8), BLOCK)],
                ssems[j])

        def owned(b):
            return b < nb

        def gather_start(b, j):
            pl.when(owned(b))(lambda: gather(b, j).start())

        gather_start(0, 0)
        gather_start(1, 1)

        def body(o, _):
            for j in range(NBUF):
                b = o * NBUF + j
                jn = (j + 2) % NBUF

                @pl.when(owned(b))
                def _():
                    @pl.when(b >= 2)
                    def _():
                        store(b - 2, jn).wait()
                    gather_start(b + 2, jn)
                    gather(b, j).wait()
                    store(b, j).start()
            return ()

        lax.fori_loop(0, nb_hi // NBUF, body, ())

        @pl.when(wid < n_hi)
        def _():
            store(nb_hi - 2, (nb_hi - 2) % NBUF).wait()
            store(nb_hi - 1, (nb_hi - 1) % NBUF).wait()

        @pl.when(wid >= n_hi)
        def _():
            store(nb_hi - 3, (nb_hi - 3) % NBUF).wait()
            store(nb_hi - 2, (nb_hi - 2) % NBUF).wait()

    return k(emb, graph)


def kernel(graph, emb):
    return jax.jit(_gather_sc)(graph.astype(jnp.int32), emb)

# --- scband reference (transcript-rebuilt; emitter-appended) ---
"""Pipeline reference for scband-atom-encoder-65764539236736 (READ-ONLY COPY).

The authoritative reference and input builder live on the scoring server;
editing this copy changes nothing except your own understanding.
"""

import jax, jax.numpy as jnp
import numpy as np

N_NODES = 100000
NUM_ATOM_TYPES = 100
HIDDEN = 128
NUM_FEATURES = 9


def setup_inputs(seed: int = 0) -> dict:
    key = jax.random.key(seed)
    k1, k2 = jax.random.split(key)
    # forward arg: graph node feature indices (1-D, as in the torch branch that executes)
    graph = jax.random.randint(k1, (N_NODES,), 0, NUM_ATOM_TYPES, dtype=jnp.int64 if jax.config.jax_enable_x64 else jnp.int32)
    # learned parameters: stacked embedding tables, one per atom feature
    emb = jax.random.normal(k2, (NUM_FEATURES, NUM_ATOM_TYPES, HIDDEN), dtype=jnp.float32)
    return {"graph": graph, "emb": emb}


def reference(graph, emb):
    # Faithful translation of AtomEncoder.forward for the executed (x.dim()==1) branch:
    # x is unsqueezed to [N, 1], then summed embedding lookups over its columns.
    x = graph
    if x.ndim == 1:
        x = x[:, None]
        out = jnp.zeros((x.shape[0], HIDDEN), dtype=jnp.float32)
        for i in range(x.shape[1]):
            out = out + jnp.take(emb[i], x[:, i], axis=0)
        # degree_scaling is False -> no scaling applied
        return out

if __name__ == "__main__":
    import jax
    _d = setup_inputs()
    print(jax.jit(kernel)(*tuple(_d.values())))

</pallas_src>

<mosaic_0001>
#map = affine_map<(d0, d1) -> (0, 0, 0)>
#map1 = affine_map<(d0, d1) -> (0)>
#map2 = affine_map<(d0, d1) -> (0, 0)>
module attributes {stable_mosaic.version = 14 : i64} {
  func.func @k(%arg0: i32, %arg1: i32, %arg2: memref<9x100x128xf32, #tpu.memory_space<hbm>>, %arg3: memref<100000xi32, #tpu.memory_space<hbm>>, %arg4: memref<100000x128xf32, #tpu.memory_space<hbm>>, %arg5: memref<3200xi32, #tpu.memory_space<vmem>>, %arg6: memref<4x200x128xf32, #tpu.memory_space<vmem>>, %arg7: memref<100x128xf32, #tpu.memory_space<vmem_shared>>, %arg8: memref<!tpu.dma_semaphore, #tpu.memory_space<semaphore_mem>>, %arg9: memref<!tpu.dma_semaphore, #tpu.memory_space<semaphore_mem>>, %arg10: memref<!tpu.dma_semaphore, #tpu.memory_space<semaphore_mem>>, %arg11: memref<!tpu.dma_semaphore, #tpu.memory_space<semaphore_mem>>, %arg12: memref<!tpu.dma_semaphore, #tpu.memory_space<semaphore_mem>>, %arg13: memref<!tpu.dma_semaphore, #tpu.memory_space<semaphore_mem>>, %arg14: memref<!tpu.dma_semaphore, #tpu.memory_space<semaphore_mem>>, %arg15: memref<!tpu.dma_semaphore, #tpu.memory_space<semaphore_mem>>) attributes {dimension_semantics = [#tpu.dimension_semantics<core_parallel>, #tpu.dimension_semantics<subcore_parallel>], iteration_bounds = array<i64: 2, 16>, scalar_prefetch = 0 : i64, scratch_operands = 11 : i64, tpu.core_type = #tpu.core_type<sc_vector_subcore>, window_params = [{transform_indices = #map}, {transform_indices = #map1}, {transform_indices = #map2}]} {
    %mul3A = arith.constant 2 : i32
    %mul3A_0 = arith.muli %arg1, %mul3A : i32
    %add3A = arith.addi %mul3A_0, %arg0 : i32
    %mul3A_1 = arith.constant 16 : i32
    %mul3A_2 = arith.muli %mul3A_1, %add3A : i32
    %sub3A = arith.constant 20 : i32
    %sub3A_3 = arith.subi %add3A, %sub3A : i32
    %max3A = arith.constant 0 : i32
    %max3A_4 = arith.maxsi %sub3A_3, %max3A : i32
    %sub3A_5 = arith.subi %mul3A_2, %max3A_4 : i32
    %lt3A = arith.constant 20 : i32
    %lt3A_6 = arith.cmpi slt, %add3A, %lt3A : i32
    %jit3A = arith.constant 16 : i32
    %jit3A_7 = arith.constant 15 : i32
    %select_n3A = arith.select %lt3A_6, %jit3A, %jit3A_7 : i32
    %eq3A = arith.constant 0 : i32
    %eq3A_8 = arith.cmpi eq, %arg1, %eq3A : i32
    %convert_element_type3A = arith.extui %eq3A_8 : i1 to i32
    %cond3A = arith.constant 0 : i32
    %cond3A_9 = arith.cmpi ne, %convert_element_type3A, %cond3A : i32
    scf.if %cond3A_9 {
      %run_scoped3A = arith.constant 0 : i32
      "tpu.region"() ({
        %run_scoped3A_42 = tpu.sem_alloc : memref<!tpu.dma_semaphore, #tpu.memory_space<semaphore_mem>>
        %dma_start3A = arith.constant 0 : i32
        %dma_start3A_43 = arith.constant 0 : i32
        %dma_start3A_44 = tpu.memref_slice %arg2[%run_scoped3A, %dma_start3A, %dma_start3A_43] : memref<9x100x128xf32, #tpu.memory_space<hbm>> -> memref<1x100x128xf32, #tpu.memory_space<hbm>>
        %dma_start3A_45 = tpu.memref_squeeze %dma_start3A_44 : memref<1x100x128xf32, #tpu.memory_space<hbm>> -> memref<100x128xf32, #tpu.memory_space<hbm>>
        tpu.enqueue_dma source(%dma_start3A_45 : memref<100x128xf32, #tpu.memory_space<hbm>>) target(%arg7 : memref<100x128xf32, #tpu.memory_space<vmem_shared>>) target_semaphore(%run_scoped3A_42 : memref<!tpu.dma_semaphore, #tpu.memory_space<semaphore_mem>>)
        %dma_wait3A = arith.constant 0 : i32
        %dma_wait3A_46 = arith.constant 0 : i32
        %dma_wait3A_47 = tpu.memref_slice %arg2[%run_scoped3A, %dma_wait3A, %dma_wait3A_46] : memref<9x100x128xf32, #tpu.memory_space<hbm>> -> memref<1x100x128xf32, #tpu.memory_space<hbm>>
        %dma_wait3A_48 = tpu.memref_squeeze %dma_wait3A_47 : memref<1x100x128xf32, #tpu.memory_space<hbm>> -> memref<100x128xf32, #tpu.memory_space<hbm>>
        tpu.wait_dma2 semaphore(%run_scoped3A_42 : memref<!tpu.dma_semaphore, #tpu.memory_space<semaphore_mem>>) src(%dma_wait3A_48 : memref<100x128xf32, #tpu.memory_space<hbm>>) dst(%arg7 : memref<100x128xf32, #tpu.memory_space<vmem_shared>>)
        tpu.yield
      }) : () -> ()
    } else {
    }
    %lt3A_10 = arith.constant 20 : i32
    %lt3A_11 = arith.cmpi slt, %add3A, %lt3A_10 : i32
    %convert_element_type3A_12 = arith.extui %lt3A_11 : i1 to i32
    %cond3A_13 = arith.constant 0 : i32
    %cond3A_14 = arith.cmpi ne, %convert_element_type3A_12, %cond3A_13 : i32
    scf.if %cond3A_14 {
      %mul3A_42 = arith.constant 200 : i32
      %mul3A_43 = arith.muli %sub3A_5, %mul3A_42 : i32
      %multiple_of3A = tpu.assume_multiple %mul3A_43, 8 : i32
      "tpu.region"() ({
        %run_scoped3A = tpu.sem_alloc : memref<!tpu.dma_semaphore, #tpu.memory_space<semaphore_mem>>
        %dma_start3A = arith.constant 0 : i32
        %dma_start3A_44 = tpu.memref_slice %arg5[%dma_start3A] : memref<3200xi32, #tpu.memory_space<vmem>> -> memref<3200xi32, #tpu.memory_space<vmem>>
        %dma_start3A_45 = tpu.memref_slice %arg3[%multiple_of3A] : memref<100000xi32, #tpu.memory_space<hbm>> -> memref<3200xi32, #tpu.memory_space<hbm>>
        %dma_start3A_46 = arith.constant 0 : i32
        %dma_start3A_47 = tpu.memref_slice %arg5[%dma_start3A_46] : memref<3200xi32, #tpu.memory_space<vmem>> -> memref<3200xi32, #tpu.memory_space<vmem>>
        %dma_start3A_48 = tpu.memref_slice %arg3[%multiple_of3A] : memref<100000xi32, #tpu.memory_space<hbm>> -> memref<3200xi32, #tpu.memory_space<hbm>>
        tpu.enqueue_dma source(%dma_start3A_48 : memref<3200xi32, #tpu.memory_space<hbm>>) target(%dma_start3A_47 : memref<3200xi32, #tpu.memory_space<vmem>>) target_semaphore(%run_scoped3A : memref<!tpu.dma_semaphore, #tpu.memory_space<semaphore_mem>>)
        %dma_wait3A = arith.constant 0 : i32
        %dma_wait3A_49 = tpu.memref_slice %arg5[%dma_wait3A] : memref<3200xi32, #tpu.memory_space<vmem>> -> memref<3200xi32, #tpu.memory_space<vmem>>
        %dma_wait3A_50 = tpu.memref_slice %arg3[%multiple_of3A] : memref<100000xi32, #tpu.memory_space<hbm>> -> memref<3200xi32, #tpu.memory_space<hbm>>
        %dma_wait3A_51 = arith.constant 0 : i32
        %dma_wait3A_52 = tpu.memref_slice %arg5[%dma_wait3A_51] : memref<3200xi32, #tpu.memory_space<vmem>> -> memref<3200xi32, #tpu.memory_space<vmem>>
        %dma_wait3A_53 = tpu.memref_slice %arg3[%multiple_of3A] : memref<100000xi32, #tpu.memory_space<hbm>> -> memref<3200xi32, #tpu.memory_space<hbm>>
        tpu.wait_dma2 semaphore(%run_scoped3A : memref<!tpu.dma_semaphore, #tpu.memory_space<semaphore_mem>>) src(%dma_wait3A_53 : memref<3200xi32, #tpu.memory_space<hbm>>) dst(%dma_wait3A_52 : memref<3200xi32, #tpu.memory_space<vmem>>)
        tpu.yield
      }) : () -> ()
    } else {
    }
    %ge3A = arith.constant 20 : i32
    %ge3A_15 = arith.cmpi sge, %add3A, %ge3A : i32
    %convert_element_type3A_16 = arith.extui %ge3A_15 : i1 to i32
    %cond3A_17 = arith.constant 0 : i32
    %cond3A_18 = arith.cmpi ne, %convert_element_type3A_16, %cond3A_17 : i32
    scf.if %cond3A_18 {
      %mul3A_42 = arith.constant 200 : i32
      %mul3A_43 = arith.muli %sub3A_5, %mul3A_42 : i32
      %multiple_of3A = tpu.assume_multiple %mul3A_43, 8 : i32
      "tpu.region"() ({
        %run_scoped3A = tpu.sem_alloc : memref<!tpu.dma_semaphore, #tpu.memory_space<semaphore_mem>>
        %dma_start3A = arith.constant 0 : i32
        %dma_start3A_44 = tpu.memref_slice %arg5[%dma_start3A] : memref<3200xi32, #tpu.memory_space<vmem>> -> memref<3000xi32, #tpu.memory_space<vmem>>
        %dma_start3A_45 = tpu.memref_slice %arg3[%multiple_of3A] : memref<100000xi32, #tpu.memory_space<hbm>> -> memref<3000xi32, #tpu.memory_space<hbm>>
        %dma_start3A_46 = arith.constant 0 : i32
        %dma_start3A_47 = tpu.memref_slice %arg5[%dma_start3A_46] : memref<3200xi32, #tpu.memory_space<vmem>> -> memref<3000xi32, #tpu.memory_space<vmem>>
        %dma_start3A_48 = tpu.memref_slice %arg3[%multiple_of3A] : memref<100000xi32, #tpu.memory_space<hbm>> -> memref<3000xi32, #tpu.memory_space<hbm>>
        tpu.enqueue_dma source(%dma_start3A_48 : memref<3000xi32, #tpu.memory_space<hbm>>) target(%dma_start3A_47 : memref<3000xi32, #tpu.memory_space<vmem>>) target_semaphore(%run_scoped3A : memref<!tpu.dma_semaphore, #tpu.memory_space<semaphore_mem>>)
        %dma_wait3A = arith.constant 0 : i32
        %dma_wait3A_49 = tpu.memref_slice %arg5[%dma_wait3A] : memref<3200xi32, #tpu.memory_space<vmem>> -> memref<3000xi32, #tpu.memory_space<vmem>>
        %dma_wait3A_50 = tpu.memref_slice %arg3[%multiple_of3A] : memref<100000xi32, #tpu.memory_space<hbm>> -> memref<3000xi32, #tpu.memory_space<hbm>>
        %dma_wait3A_51 = arith.constant 0 : i32
        %dma_wait3A_52 = tpu.memref_slice %arg5[%dma_wait3A_51] : memref<3200xi32, #tpu.memory_space<vmem>> -> memref<3000xi32, #tpu.memory_space<vmem>>
        %dma_wait3A_53 = tpu.memref_slice %arg3[%multiple_of3A] : memref<100000xi32, #tpu.memory_space<hbm>> -> memref<3000xi32, #tpu.memory_space<hbm>>
        tpu.wait_dma2 semaphore(%run_scoped3A : memref<!tpu.dma_semaphore, #tpu.memory_space<semaphore_mem>>) src(%dma_wait3A_53 : memref<3000xi32, #tpu.memory_space<hbm>>) dst(%dma_wait3A_52 : memref<3000xi32, #tpu.memory_space<vmem>>)
        tpu.yield
      }) : () -> ()
    } else {
    }
    %barrier3A = arith.constant 0 : index
    tpu.barrier barrier_id(%barrier3A)
    %gt3A = arith.constant 0 : i32
    %gt3A_19 = arith.cmpi sgt, %select_n3A, %gt3A : i32
    %convert_element_type3A_20 = arith.extui %gt3A_19 : i1 to i32
    %cond3A_21 = arith.constant 0 : i32
    %cond3A_22 = arith.cmpi ne, %convert_element_type3A_20, %cond3A_21 : i32
    scf.if %cond3A_22 {
      %multiple_of3A = arith.constant 0 : i32
      %multiple_of3A_42 = tpu.assume_multiple %multiple_of3A, 8 : i32
      %dma_start3A = arith.constant 0 : i32
      %dma_start3A_43 = arith.constant 0 : i32
      %dma_start3A_44 = arith.constant 0 : i32
      %dma_start3A_45 = tpu.memref_slice %arg6[%dma_start3A, %dma_start3A_43, %dma_start3A_44] : memref<4x200x128xf32, #tpu.memory_space<vmem>> -> memref<1x200x128xf32, #tpu.memory_space<vmem>>
      %dma_start3A_46 = tpu.memref_squeeze %dma_start3A_45 : memref<1x200x128xf32, #tpu.memory_space<vmem>> -> memref<200x128xf32, #tpu.memory_space<vmem>>
      %dma_start3A_47 = tpu.memref_slice %arg5[%multiple_of3A_42] : memref<3200xi32, #tpu.memory_space<vmem>> -> memref<200xi32, #tpu.memory_space<vmem>>
      %dma_start3A_48 = arith.constant 0 : i32
      %dma_start3A_49 = arith.constant 0 : i32
      %dma_start3A_50 = tpu.memref_slice %arg7[%dma_start3A_48, %dma_start3A_49] : memref<100x128xf32, #tpu.memory_space<vmem_shared>> -> memref<100x128xf32, #tpu.memory_space<vmem_shared>>
      tpu.enqueue_indirect_dma source(%dma_start3A_50 : memref<100x128xf32, #tpu.memory_space<vmem_shared>>) target(%dma_start3A_46 : memref<200x128xf32, #tpu.memory_space<vmem>>) offsets(%dma_start3A_47 : memref<200xi32, #tpu.memory_space<vmem>>) semaphore(%arg8 : memref<!tpu.dma_semaphore, #tpu.memory_space<semaphore_mem>>)
    } else {
    }
    %gt3A_23 = arith.constant 1 : i32
    %gt3A_24 = arith.cmpi sgt, %select_n3A, %gt3A_23 : i32
    %convert_element_type3A_25 = arith.extui %gt3A_24 : i1 to i32
    %cond3A_26 = arith.constant 0 : i32
    %cond3A_27 = arith.cmpi ne, %convert_element_type3A_25, %cond3A_26 : i32
    scf.if %cond3A_27 {
      %multiple_of3A = arith.constant 200 : i32
      %multiple_of3A_42 = tpu.assume_multiple %multiple_of3A, 8 : i32
      %dma_start3A = arith.constant 1 : i32
      %dma_start3A_43 = arith.constant 0 : i32
      %dma_start3A_44 = arith.constant 0 : i32
      %dma_start3A_45 = tpu.memref_slice %arg6[%dma_start3A, %dma_start3A_43, %dma_start3A_44] : memref<4x200x128xf32, #tpu.memory_space<vmem>> -> memref<1x200x128xf32, #tpu.memory_space<vmem>>
      %dma_start3A_46 = tpu.memref_squeeze %dma_start3A_45 : memref<1x200x128xf32, #tpu.memory_space<vmem>> -> memref<200x128xf32, #tpu.memory_space<vmem>>
      %dma_start3A_47 = tpu.memref_slice %arg5[%multiple_of3A_42] : memref<3200xi32, #tpu.memory_space<vmem>> -> memref<200xi32, #tpu.memory_space<vmem>>
      %dma_start3A_48 = arith.constant 0 : i32
      %dma_start3A_49 = arith.constant 0 : i32
      %dma_start3A_50 = tpu.memref_slice %arg7[%dma_start3A_48, %dma_start3A_49] : memref<100x128xf32, #tpu.memory_space<vmem_shared>> -> memref<100x128xf32, #tpu.memory_space<vmem_shared>>
      tpu.enqueue_indirect_dma source(%dma_start3A_50 : memref<100x128xf32, #tpu.memory_space<vmem_shared>>) target(%dma_start3A_46 : memref<200x128xf32, #tpu.memory_space<vmem>>) offsets(%dma_start3A_47 : memref<200xi32, #tpu.memory_space<vmem>>) semaphore(%arg9 : memref<!tpu.dma_semaphore, #tpu.memory_space<semaphore_mem>>)
    } else {
    }
    %scan3A = arith.constant 0 : i32
    %scan3A_28 = arith.constant 4 : i32
    %scan3A_29 = arith.addi %scan3A, %scan3A_28 : i32
    %scan3A_30 = arith.constant 1 : i32
    scf.for %scan3A_42 = %scan3A to %scan3A_29 step %scan3A_30  : i32 {
      %mul3A_43 = arith.constant 4 : i32
      %mul3A_44 = arith.muli %scan3A_42, %mul3A_43 : i32
      %add3A_45 = arith.constant 0 : i32
      %add3A_46 = arith.addi %mul3A_44, %add3A_45 : i32
      %lt3A_47 = arith.cmpi slt, %add3A_46, %select_n3A : i32
      %convert_element_type3A_48 = arith.extui %lt3A_47 : i1 to i32
      %cond3A_49 = arith.constant 0 : i32
      %cond3A_50 = arith.cmpi ne, %convert_element_type3A_48, %cond3A_49 : i32
      scf.if %cond3A_50 {
        %ge3A_75 = arith.constant 2 : i32
        %ge3A_76 = arith.cmpi sge, %add3A_46, %ge3A_75 : i32
        %convert_element_type3A_77 = arith.extui %ge3A_76 : i1 to i32
        %cond3A_78 = arith.constant 0 : i32
        %cond3A_79 = arith.cmpi ne, %convert_element_type3A_77, %cond3A_78 : i32
        scf.if %cond3A_79 {
          %sub3A_112 = arith.constant 2 : i32
          %sub3A_113 = arith.subi %add3A_46, %sub3A_112 : i32
          %add3A_114 = arith.addi %sub3A_5, %sub3A_113 : i32
          %mul3A_115 = arith.constant 200 : i32
          %mul3A_116 = arith.muli %add3A_114, %mul3A_115 : i32
          %multiple_of3A_117 = tpu.assume_multiple %mul3A_116, 8 : i32
          %dma_wait3A_118 = arith.constant 2 : i32
          %dma_wait3A_119 = arith.constant 0 : i32
          %dma_wait3A_120 = arith.constant 0 : i32
          %dma_wait3A_121 = tpu.memref_slice %arg6[%dma_wait3A_118, %dma_wait3A_119, %dma_wait3A_120] : memref<4x200x128xf32, #tpu.memory_space<vmem>> -> memref<1x200x128xf32, #tpu.memory_space<vmem>>
          %dma_wait3A_122 = tpu.memref_squeeze %dma_wait3A_121 : memref<1x200x128xf32, #tpu.memory_space<vmem>> -> memref<200x128xf32, #tpu.memory_space<vmem>>
          %dma_wait3A_123 = arith.constant 0 : i32
          %dma_wait3A_124 = tpu.memref_slice %arg4[%multiple_of3A_117, %dma_wait3A_123] : memref<100000x128xf32, #tpu.memory_space<hbm>> -> memref<200x128xf32, #tpu.memory_space<hbm>>
          %dma_wait3A_125 = arith.constant 0 : i32
          %dma_wait3A_126 = tpu.memref_slice %arg4[%multiple_of3A_117, %dma_wait3A_125] : memref<100000x128xf32, #tpu.memory_space<hbm>> -> memref<200x128xf32, #tpu.memory_space<hbm>>
          %dma_wait3A_127 = arith.constant 0 : i32
          %dma_wait3A_128 = arith.constant 0 : i32
          %dma_wait3A_129 = tpu.memref_slice %arg6[%dma_wait3A_118, %dma_wait3A_127, %dma_wait3A_128] : memref<4x200x128xf32, #tpu.memory_space<vmem>> -> memref<1x200x128xf32, #tpu.memory_space<vmem>>
          %dma_wait3A_130 = tpu.memref_squeeze %dma_wait3A_129 : memref<1x200x128xf32, #tpu.memory_space<vmem>> -> memref<200x128xf32, #tpu.memory_space<vmem>>
          tpu.wait_dma2 semaphore(%arg14 : memref<!tpu.dma_semaphore, #tpu.memory_space<semaphore_mem>>) src(%dma_wait3A_130 : memref<200x128xf32, #tpu.memory_space<vmem>>) dst(%dma_wait3A_126 : memref<200x128xf32, #tpu.memory_space<hbm>>)
        } else {
        }
        %add3A_80 = arith.constant 2 : i32
        %add3A_81 = arith.addi %add3A_46, %add3A_80 : i32
        %lt3A_82 = arith.cmpi slt, %add3A_81, %select_n3A : i32
        %convert_element_type3A_83 = arith.extui %lt3A_82 : i1 to i32
        %cond3A_84 = arith.constant 0 : i32
        %cond3A_85 = arith.cmpi ne, %convert_element_type3A_83, %cond3A_84 : i32
        scf.if %cond3A_85 {
          %mul3A_112 = arith.constant 200 : i32
          %mul3A_113 = arith.muli %add3A_81, %mul3A_112 : i32
          %multiple_of3A_114 = tpu.assume_multiple %mul3A_113, 8 : i32
          %dma_start3A_115 = arith.constant 2 : i32
          %dma_start3A_116 = arith.constant 0 : i32
          %dma_start3A_117 = arith.constant 0 : i32
          %dma_start3A_118 = tpu.memref_slice %arg6[%dma_start3A_115, %dma_start3A_116, %dma_start3A_117] : memref<4x200x128xf32, #tpu.memory_space<vmem>> -> memref<1x200x128xf32, #tpu.memory_space<vmem>>
          %dma_start3A_119 = tpu.memref_squeeze %dma_start3A_118 : memref<1x200x128xf32, #tpu.memory_space<vmem>> -> memref<200x128xf32, #tpu.memory_space<vmem>>
          %dma_start3A_120 = tpu.memref_slice %arg5[%multiple_of3A_114] : memref<3200xi32, #tpu.memory_space<vmem>> -> memref<200xi32, #tpu.memory_space<vmem>>
          %dma_start3A_121 = arith.constant 0 : i32
          %dma_start3A_122 = arith.constant 0 : i32
          %dma_start3A_123 = tpu.memref_slice %arg7[%dma_start3A_121, %dma_start3A_122] : memref<100x128xf32, #tpu.memory_space<vmem_shared>> -> memref<100x128xf32, #tpu.memory_space<vmem_shared>>
          tpu.enqueue_indirect_dma source(%dma_start3A_123 : memref<100x128xf32, #tpu.memory_space<vmem_shared>>) target(%dma_start3A_119 : memref<200x128xf32, #tpu.memory_space<vmem>>) offsets(%dma_start3A_120 : memref<200xi32, #tpu.memory_space<vmem>>) semaphore(%arg10 : memref<!tpu.dma_semaphore, #tpu.memory_space<semaphore_mem>>)
        } else {
        }
        %mul3A_86 = arith.constant 200 : i32
        %mul3A_87 = arith.muli %add3A_46, %mul3A_86 : i32
        %multiple_of3A = tpu.assume_multiple %mul3A_87, 8 : i32
        %dma_wait3A = arith.constant 0 : i32
        %dma_wait3A_88 = arith.constant 0 : i32
        %dma_wait3A_89 = arith.constant 0 : i32
        %dma_wait3A_90 = tpu.memref_slice %arg6[%dma_wait3A, %dma_wait3A_88, %dma_wait3A_89] : memref<4x200x128xf32, #tpu.memory_space<vmem>> -> memref<1x200x128xf32, #tpu.memory_space<vmem>>
        %dma_wait3A_91 = tpu.memref_squeeze %dma_wait3A_90 : memref<1x200x128xf32, #tpu.memory_space<vmem>> -> memref<200x128xf32, #tpu.memory_space<vmem>>
        %dma_wait3A_92 = tpu.memref_slice %arg5[%multiple_of3A] : memref<3200xi32, #tpu.memory_space<vmem>> -> memref<200xi32, #tpu.memory_space<vmem>>
        %dma_wait3A_93 = arith.constant 0 : i32
        %dma_wait3A_94 = arith.constant 0 : i32
        %dma_wait3A_95 = tpu.memref_slice %arg7[%dma_wait3A_93, %dma_wait3A_94] : memref<100x128xf32, #tpu.memory_space<vmem_shared>> -> memref<100x128xf32, #tpu.memory_space<vmem_shared>>
        tpu.wait_indirect_dma semaphore(%arg8 : memref<!tpu.dma_semaphore, #tpu.memory_space<semaphore_mem>>) src(%dma_wait3A_95 : memref<100x128xf32, #tpu.memory_space<vmem_shared>>) dst(%dma_wait3A_91 : memref<200x128xf32, #tpu.memory_space<vmem>>)
        %add3A_96 = arith.addi %sub3A_5, %add3A_46 : i32
        %mul3A_97 = arith.constant 200 : i32
        %mul3A_98 = arith.muli %add3A_96, %mul3A_97 : i32
        %multiple_of3A_99 = tpu.assume_multiple %mul3A_98, 8 : i32
        %dma_start3A = arith.constant 0 : i32
        %dma_start3A_100 = arith.constant 0 : i32
        %dma_start3A_101 = arith.constant 0 : i32
        %dma_start3A_102 = tpu.memref_slice %arg6[%dma_start3A, %dma_start3A_100, %dma_start3A_101] : memref<4x200x128xf32, #tpu.memory_space<vmem>> -> memref<1x200x128xf32, #tpu.memory_space<vmem>>
        %dma_start3A_103 = tpu.memref_squeeze %dma_start3A_102 : memref<1x200x128xf32, #tpu.memory_space<vmem>> -> memref<200x128xf32, #tpu.memory_space<vmem>>
        %dma_start3A_104 = arith.constant 0 : i32
        %dma_start3A_105 = tpu.memref_slice %arg4[%multiple_of3A_99, %dma_start3A_104] : memref<100000x128xf32, #tpu.memory_space<hbm>> -> memref<200x128xf32, #tpu.memory_space<hbm>>
        %dma_start3A_106 = arith.constant 0 : i32
        %dma_start3A_107 = tpu.memref_slice %arg4[%multiple_of3A_99, %dma_start3A_106] : memref<100000x128xf32, #tpu.memory_space<hbm>> -> memref<200x128xf32, #tpu.memory_space<hbm>>
        %dma_start3A_108 = arith.constant 0 : i32
        %dma_start3A_109 = arith.constant 0 : i32
        %dma_start3A_110 = tpu.memref_slice %arg6[%dma_start3A, %dma_start3A_108, %dma_start3A_109] : memref<4x200x128xf32, #tpu.memory_space<vmem>> -> memref<1x200x128xf32, #tpu.memory_space<vmem>>
        %dma_start3A_111 = tpu.memref_squeeze %dma_start3A_110 : memref<1x200x128xf32, #tpu.memory_space<vmem>> -> memref<200x128xf32, #tpu.memory_space<vmem>>
        tpu.enqueue_dma source(%dma_start3A_111 : memref<200x128xf32, #tpu.memory_space<vmem>>) target(%dma_start3A_107 : memref<200x128xf32, #tpu.memory_space<hbm>>) target_semaphore(%arg12 : memref<!tpu.dma_semaphore, #tpu.memory_space<semaphore_mem>>)
      } else {
      }
      %mul3A_51 = arith.constant 4 : i32
      %mul3A_52 = arith.muli %scan3A_42, %mul3A_51 : i32
      %add3A_53 = arith.constant 1 : i32
      %add3A_54 = arith.addi %mul3A_52, %add3A_53 : i32
      %lt3A_55 = arith.cmpi slt, %add3A_54, %select_n3A : i32
      %convert_element_type3A_56 = arith.extui %lt3A_55 : i1 to i32
      %cond3A_57 = arith.constant 0 : i32
      %cond3A_58 = arith.cmpi ne, %convert_element_type3A_56, %cond3A_57 : i32
      scf.if %cond3A_58 {
        %ge3A_75 = arith.constant 2 : i32
        %ge3A_76 = arith.cmpi sge, %add3A_54, %ge3A_75 : i32
        %convert_element_type3A_77 = arith.extui %ge3A_76 : i1 to i32
        %cond3A_78 = arith.constant 0 : i32
        %cond3A_79 = arith.cmpi ne, %convert_element_type3A_77, %cond3A_78 : i32
        scf.if %cond3A_79 {
          %sub3A_112 = arith.constant 2 : i32
          %sub3A_113 = arith.subi %add3A_54, %sub3A_112 : i32
          %add3A_114 = arith.addi %sub3A_5, %sub3A_113 : i32
          %mul3A_115 = arith.constant 200 : i32
          %mul3A_116 = arith.muli %add3A_114, %mul3A_115 : i32
          %multiple_of3A_117 = tpu.assume_multiple %mul3A_116, 8 : i32
          %dma_wait3A_118 = arith.constant 3 : i32
          %dma_wait3A_119 = arith.constant 0 : i32
          %dma_wait3A_120 = arith.constant 0 : i32
          %dma_wait3A_121 = tpu.memref_slice %arg6[%dma_wait3A_118, %dma_wait3A_119, %dma_wait3A_120] : memref<4x200x128xf32, #tpu.memory_space<vmem>> -> memref<1x200x128xf32, #tpu.memory_space<vmem>>
          %dma_wait3A_122 = tpu.memref_squeeze %dma_wait3A_121 : memref<1x200x128xf32, #tpu.memory_space<vmem>> -> memref<200x128xf32, #tpu.memory_space<vmem>>
          %dma_wait3A_123 = arith.constant 0 : i32
          %dma_wait3A_124 = tpu.memref_slice %arg4[%multiple_of3A_117, %dma_wait3A_123] : memref<100000x128xf32, #tpu.memory_space<hbm>> -> memref<200x128xf32, #tpu.memory_space<hbm>>
          %dma_wait3A_125 = arith.constant 0 : i32
          %dma_wait3A_126 = tpu.memref_slice %arg4[%multiple_of3A_117, %dma_wait3A_125] : memref<100000x128xf32, #tpu.memory_space<hbm>> -> memref<200x128xf32, #tpu.memory_space<hbm>>
          %dma_wait3A_127 = arith.constant 0 : i32
          %dma_wait3A_128 = arith.constant 0 : i32
          %dma_wait3A_129 = tpu.memref_slice %arg6[%dma_wait3A_118, %dma_wait3A_127, %dma_wait3A_128] : memref<4x200x128xf32, #tpu.memory_space<vmem>> -> memref<1x200x128xf32, #tpu.memory_space<vmem>>
          %dma_wait3A_130 = tpu.memref_squeeze %dma_wait3A_129 : memref<1x200x128xf32, #tpu.memory_space<vmem>> -> memref<200x128xf32, #tpu.memory_space<vmem>>
          tpu.wait_dma2 semaphore(%arg15 : memref<!tpu.dma_semaphore, #tpu.memory_space<semaphore_mem>>) src(%dma_wait3A_130 : memref<200x128xf32, #tpu.memory_space<vmem>>) dst(%dma_wait3A_126 : memref<200x128xf32, #tpu.memory_space<hbm>>)
        } else {
        }
        %add3A_80 = arith.constant 2 : i32
        %add3A_81 = arith.addi %add3A_54, %add3A_80 : i32
        %lt3A_82 = arith.cmpi slt, %add3A_81, %select_n3A : i32
        %convert_element_type3A_83 = arith.extui %lt3A_82 : i1 to i32
        %cond3A_84 = arith.constant 0 : i32
        %cond3A_85 = arith.cmpi ne, %convert_element_type3A_83, %cond3A_84 : i32
        scf.if %cond3A_85 {
          %mul3A_112 = arith.constant 200 : i32
          %mul3A_113 = arith.muli %add3A_81, %mul3A_112 : i32
          %multiple_of3A_114 = tpu.assume_multiple %mul3A_113, 8 : i32
          %dma_start3A_115 = arith.constant 3 : i32
          %dma_start3A_116 = arith.constant 0 : i32
          %dma_start3A_117 = arith.constant 0 : i32
          %dma_start3A_118 = tpu.memref_slice %arg6[%dma_start3A_115, %dma_start3A_116, %dma_start3A_117] : memref<4x200x128xf32, #tpu.memory_space<vmem>> -> memref<1x200x128xf32, #tpu.memory_space<vmem>>
          %dma_start3A_119 = tpu.memref_squeeze %dma_start3A_118 : memref<1x200x128xf32, #tpu.memory_space<vmem>> -> memref<200x128xf32, #tpu.memory_space<vmem>>
          %dma_start3A_120 = tpu.memref_slice %arg5[%multiple_of3A_114] : memref<3200xi32, #tpu.memory_space<vmem>> -> memref<200xi32, #tpu.memory_space<vmem>>
          %dma_start3A_121 = arith.constant 0 : i32
          %dma_start3A_122 = arith.constant 0 : i32
          %dma_start3A_123 = tpu.memref_slice %arg7[%dma_start3A_121, %dma_start3A_122] : memref<100x128xf32, #tpu.memory_space<vmem_shared>> -> memref<100x128xf32, #tpu.memory_space<vmem_shared>>
          tpu.enqueue_indirect_dma source(%dma_start3A_123 : memref<100x128xf32, #tpu.memory_space<vmem_shared>>) target(%dma_start3A_119 : memref<200x128xf32, #tpu.memory_space<vmem>>) offsets(%dma_start3A_120 : memref<200xi32, #tpu.memory_space<vmem>>) semaphore(%arg11 : memref<!tpu.dma_semaphore, #tpu.memory_space<semaphore_mem>>)
        } else {
        }
        %mul3A_86 = arith.constant 200 : i32
        %mul3A_87 = arith.muli %add3A_54, %mul3A_86 : i32
        %multiple_of3A = tpu.assume_multiple %mul3A_87, 8 : i32
        %dma_wait3A = arith.constant 1 : i32
        %dma_wait3A_88 = arith.constant 0 : i32
        %dma_wait3A_89 = arith.constant 0 : i32
        %dma_wait3A_90 = tpu.memref_slice %arg6[%dma_wait3A, %dma_wait3A_88, %dma_wait3A_89] : memref<4x200x128xf32, #tpu.memory_space<vmem>> -> memref<1x200x128xf32, #tpu.memory_space<vmem>>
        %dma_wait3A_91 = tpu.memref_squeeze %dma_wait3A_90 : memref<1x200x128xf32, #tpu.memory_space<vmem>> -> memref<200x128xf32, #tpu.memory_space<vmem>>
        %dma_wait3A_92 = tpu.memref_slice %arg5[%multiple_of3A] : memref<3200xi32, #tpu.memory_space<vmem>> -> memref<200xi32, #tpu.memory_space<vmem>>
        %dma_wait3A_93 = arith.constant 0 : i32
        %dma_wait3A_94 = arith.constant 0 : i32
        %dma_wait3A_95 = tpu.memref_slice %arg7[%dma_wait3A_93, %dma_wait3A_94] : memref<100x128xf32, #tpu.memory_space<vmem_shared>> -> memref<100x128xf32, #tpu.memory_space<vmem_shared>>
        tpu.wait_indirect_dma semaphore(%arg9 : memref<!tpu.dma_semaphore, #tpu.memory_space<semaphore_mem>>) src(%dma_wait3A_95 : memref<100x128xf32, #tpu.memory_space<vmem_shared>>) dst(%dma_wait3A_91 : memref<200x128xf32, #tpu.memory_space<vmem>>)
        %add3A_96 = arith.addi %sub3A_5, %add3A_54 : i32
        %mul3A_97 = arith.constant 200 : i32
        %mul3A_98 = arith.muli %add3A_96, %mul3A_97 : i32
        %multiple_of3A_99 = tpu.assume_multiple %mul3A_98, 8 : i32
        %dma_start3A = arith.constant 1 : i32
        %dma_start3A_100 = arith.constant 0 : i32
        %dma_start3A_101 = arith.constant 0 : i32
        %dma_start3A_102 = tpu.memref_slice %arg6[%dma_start3A, %dma_start3A_100, %dma_start3A_101] : memref<4x200x128xf32, #tpu.memory_space<vmem>> -> memref<1x200x128xf32, #tpu.memory_space<vmem>>
        %dma_start3A_103 = tpu.memref_squeeze %dma_start3A_102 : memref<1x200x128xf32, #tpu.memory_space<vmem>> -> memref<200x128xf32, #tpu.memory_space<vmem>>
        %dma_start3A_104 = arith.constant 0 : i32
        %dma_start3A_105 = tpu.memref_slice %arg4[%multiple_of3A_99, %dma_start3A_104] : memref<100000x128xf32, #tpu.memory_space<hbm>> -> memref<200x128xf32, #tpu.memory_space<hbm>>
        %dma_start3A_106 = arith.constant 0 : i32
        %dma_start3A_107 = tpu.memref_slice %arg4[%multiple_of3A_99, %dma_start3A_106] : memref<100000x128xf32, #tpu.memory_space<hbm>> -> memref<200x128xf32, #tpu.memory_space<hbm>>
        %dma_start3A_108 = arith.constant 0 : i32
        %dma_start3A_109 = arith.constant 0 : i32
        %dma_start3A_110 = tpu.memref_slice %arg6[%dma_start3A, %dma_start3A_108, %dma_start3A_109] : memref<4x200x128xf32, #tpu.memory_space<vmem>> -> memref<1x200x128xf32, #tpu.memory_space<vmem>>
        %dma_start3A_111 = tpu.memref_squeeze %dma_start3A_110 : memref<1x200x128xf32, #tpu.memory_space<vmem>> -> memref<200x128xf32, #tpu.memory_space<vmem>>
        tpu.enqueue_dma source(%dma_start3A_111 : memref<200x128xf32, #tpu.memory_space<vmem>>) target(%dma_start3A_107 : memref<200x128xf32, #tpu.memory_space<hbm>>) target_semaphore(%arg13 : memref<!tpu.dma_semaphore, #tpu.memory_space<semaphore_mem>>)
      } else {
      }
      %mul3A_59 = arith.constant 4 : i32
      %mul3A_60 = arith.muli %scan3A_42, %mul3A_59 : i32
      %add3A_61 = arith.constant 2 : i32
      %add3A_62 = arith.addi %mul3A_60, %add3A_61 : i32
      %lt3A_63 = arith.cmpi slt, %add3A_62, %select_n3A : i32
      %convert_element_type3A_64 = arith.extui %lt3A_63 : i1 to i32
      %cond3A_65 = arith.constant 0 : i32
      %cond3A_66 = arith.cmpi ne, %convert_element_type3A_64, %cond3A_65 : i32
      scf.if %cond3A_66 {
        %ge3A_75 = arith.constant 2 : i32
        %ge3A_76 = arith.cmpi sge, %add3A_62, %ge3A_75 : i32
        %convert_element_type3A_77 = arith.extui %ge3A_76 : i1 to i32
        %cond3A_78 = arith.constant 0 : i32
        %cond3A_79 = arith.cmpi ne, %convert_element_type3A_77, %cond3A_78 : i32
        scf.if %cond3A_79 {
          %sub3A_112 = arith.constant 2 : i32
          %sub3A_113 = arith.subi %add3A_62, %sub3A_112 : i32
          %add3A_114 = arith.addi %sub3A_5, %sub3A_113 : i32
          %mul3A_115 = arith.constant 200 : i32
          %mul3A_116 = arith.muli %add3A_114, %mul3A_115 : i32
          %multiple_of3A_117 = tpu.assume_multiple %mul3A_116, 8 : i32
          %dma_wait3A_118 = arith.constant 0 : i32
          %dma_wait3A_119 = arith.constant 0 : i32
          %dma_wait3A_120 = arith.constant 0 : i32
          %dma_wait3A_121 = tpu.memref_slice %arg6[%dma_wait3A_118, %dma_wait3A_119, %dma_wait3A_120] : memref<4x200x128xf32, #tpu.memory_space<vmem>> -> memref<1x200x128xf32, #tpu.memory_space<vmem>>
          %dma_wait3A_122 = tpu.memref_squeeze %dma_wait3A_121 : memref<1x200x128xf32, #tpu.memory_space<vmem>> -> memref<200x128xf32, #tpu.memory_space<vmem>>
          %dma_wait3A_123 = arith.constant 0 : i32
          %dma_wait3A_124 = tpu.memref_slice %arg4[%multiple_of3A_117, %dma_wait3A_123] : memref<100000x128xf32, #tpu.memory_space<hbm>> -> memref<200x128xf32, #tpu.memory_space<hbm>>
          %dma_wait3A_125 = arith.constant 0 : i32
          %dma_wait3A_126 = tpu.memref_slice %arg4[%multiple_of3A_117, %dma_wait3A_125] : memref<100000x128xf32, #tpu.memory_space<hbm>> -> memref<200x128xf32, #tpu.memory_space<hbm>>
          %dma_wait3A_127 = arith.constant 0 : i32
          %dma_wait3A_128 = arith.constant 0 : i32
          %dma_wait3A_129 = tpu.memref_slice %arg6[%dma_wait3A_118, %dma_wait3A_127, %dma_wait3A_128] : memref<4x200x128xf32, #tpu.memory_space<vmem>> -> memref<1x200x128xf32, #tpu.memory_space<vmem>>
          %dma_wait3A_130 = tpu.memref_squeeze %dma_wait3A_129 : memref<1x200x128xf32, #tpu.memory_space<vmem>> -> memref<200x128xf32, #tpu.memory_space<vmem>>
          tpu.wait_dma2 semaphore(%arg12 : memref<!tpu.dma_semaphore, #tpu.memory_space<semaphore_mem>>) src(%dma_wait3A_130 : memref<200x128xf32, #tpu.memory_space<vmem>>) dst(%dma_wait3A_126 : memref<200x128xf32, #tpu.memory_space<hbm>>)
        } else {
        }
        %add3A_80 = arith.constant 2 : i32
        %add3A_81 = arith.addi %add3A_62, %add3A_80 : i32
        %lt3A_82 = arith.cmpi slt, %add3A_81, %select_n3A : i32
        %convert_element_type3A_83 = arith.extui %lt3A_82 : i1 to i32
        %cond3A_84 = arith.constant 0 : i32
        %cond3A_85 = arith.cmpi ne, %convert_element_type3A_83, %cond3A_84 : i32
        scf.if %cond3A_85 {
          %mul3A_112 = arith.constant 200 : i32
          %mul3A_113 = arith.muli %add3A_81, %mul3A_112 : i32
          %multiple_of3A_114 = tpu.assume_multiple %mul3A_113, 8 : i32
          %dma_start3A_115 = arith.constant 0 : i32
          %dma_start3A_116 = arith.constant 0 : i32
          %dma_start3A_117 = arith.constant 0 : i32
          %dma_start3A_118 = tpu.memref_slice %arg6[%dma_start3A_115, %dma_start3A_116, %dma_start3A_117] : memref<4x200x128xf32, #tpu.memory_space<vmem>> -> memref<1x200x128xf32, #tpu.memory_space<vmem>>
          %dma_start3A_119 = tpu.memref_squeeze %dma_start3A_118 : memref<1x200x128xf32, #tpu.memory_space<vmem>> -> memref<200x128xf32, #tpu.memory_space<vmem>>
          %dma_start3A_120 = tpu.memref_slice %arg5[%multiple_of3A_114] : memref<3200xi32, #tpu.memory_space<vmem>> -> memref<200xi32, #tpu.memory_space<vmem>>
          %dma_start3A_121 = arith.constant 0 : i32
          %dma_start3A_122 = arith.constant 0 : i32
          %dma_start3A_123 = tpu.memref_slice %arg7[%dma_start3A_121, %dma_start3A_122] : memref<100x128xf32, #tpu.memory_space<vmem_shared>> -> memref<100x128xf32, #tpu.memory_space<vmem_shared>>
          tpu.enqueue_indirect_dma source(%dma_start3A_123 : memref<100x128xf32, #tpu.memory_space<vmem_shared>>) target(%dma_start3A_119 : memref<200x128xf32, #tpu.memory_space<vmem>>) offsets(%dma_start3A_120 : memref<200xi32, #tpu.memory_space<vmem>>) semaphore(%arg8 : memref<!tpu.dma_semaphore, #tpu.memory_space<semaphore_mem>>)
        } else {
        }
        %mul3A_86 = arith.constant 200 : i32
        %mul3A_87 = arith.muli %add3A_62, %mul3A_86 : i32
        %multiple_of3A = tpu.assume_multiple %mul3A_87, 8 : i32
        %dma_wait3A = arith.constant 2 : i32
        %dma_wait3A_88 = arith.constant 0 : i32
        %dma_wait3A_89 = arith.constant 0 : i32
        %dma_wait3A_90 = tpu.memref_slice %arg6[%dma_wait3A, %dma_wait3A_88, %dma_wait3A_89] : memref<4x200x128xf32, #tpu.memory_space<vmem>> -> memref<1x200x128xf32, #tpu.memory_space<vmem>>
        %dma_wait3A_91 = tpu.memref_squeeze %dma_wait3A_90 : memref<1x200x128xf32, #tpu.memory_space<vmem>> -> memref<200x128xf32, #tpu.memory_space<vmem>>
        %dma_wait3A_92 = tpu.memref_slice %arg5[%multiple_of3A] : memref<3200xi32, #tpu.memory_space<vmem>> -> memref<200xi32, #tpu.memory_space<vmem>>
        %dma_wait3A_93 = arith.constant 0 : i32
        %dma_wait3A_94 = arith.constant 0 : i32
        %dma_wait3A_95 = tpu.memref_slice %arg7[%dma_wait3A_93, %dma_wait3A_94] : memref<100x128xf32, #tpu.memory_space<vmem_shared>> -> memref<100x128xf32, #tpu.memory_space<vmem_shared>>
        tpu.wait_indirect_dma semaphore(%arg10 : memref<!tpu.dma_semaphore, #tpu.memory_space<semaphore_mem>>) src(%dma_wait3A_95 : memref<100x128xf32, #tpu.memory_space<vmem_shared>>) dst(%dma_wait3A_91 : memref<200x128xf32, #tpu.memory_space<vmem>>)
        %add3A_96 = arith.addi %sub3A_5, %add3A_62 : i32
        %mul3A_97 = arith.constant 200 : i32
        %mul3A_98 = arith.muli %add3A_96, %mul3A_97 : i32
        %multiple_of3A_99 = tpu.assume_multiple %mul3A_98, 8 : i32
        %dma_start3A = arith.constant 2 : i32
        %dma_start3A_100 = arith.constant 0 : i32
        %dma_start3A_101 = arith.constant 0 : i32
        %dma_start3A_102 = tpu.memref_slice %arg6[%dma_start3A, %dma_start3A_100, %dma_start3A_101] : memref<4x200x128xf32, #tpu.memory_space<vmem>> -> memref<1x200x128xf32, #tpu.memory_space<vmem>>
        %dma_start3A_103 = tpu.memref_squeeze %dma_start3A_102 : memref<1x200x128xf32, #tpu.memory_space<vmem>> -> memref<200x128xf32, #tpu.memory_space<vmem>>
        %dma_start3A_104 = arith.constant 0 : i32
        %dma_start3A_105 = tpu.memref_slice %arg4[%multiple_of3A_99, %dma_start3A_104] : memref<100000x128xf32, #tpu.memory_space<hbm>> -> memref<200x128xf32, #tpu.memory_space<hbm>>
        %dma_start3A_106 = arith.constant 0 : i32
        %dma_start3A_107 = tpu.memref_slice %arg4[%multiple_of3A_99, %dma_start3A_106] : memref<100000x128xf32, #tpu.memory_space<hbm>> -> memref<200x128xf32, #tpu.memory_space<hbm>>
        %dma_start3A_108 = arith.constant 0 : i32
        %dma_start3A_109 = arith.constant 0 : i32
        %dma_start3A_110 = tpu.memref_slice %arg6[%dma_start3A, %dma_start3A_108, %dma_start3A_109] : memref<4x200x128xf32, #tpu.memory_space<vmem>> -> memref<1x200x128xf32, #tpu.memory_space<vmem>>
        %dma_start3A_111 = tpu.memref_squeeze %dma_start3A_110 : memref<1x200x128xf32, #tpu.memory_space<vmem>> -> memref<200x128xf32, #tpu.memory_space<vmem>>
        tpu.enqueue_dma source(%dma_start3A_111 : memref<200x128xf32, #tpu.memory_space<vmem>>) target(%dma_start3A_107 : memref<200x128xf32, #tpu.memory_space<hbm>>) target_semaphore(%arg14 : memref<!tpu.dma_semaphore, #tpu.memory_space<semaphore_mem>>)
      } else {
      }
      %mul3A_67 = arith.constant 4 : i32
      %mul3A_68 = arith.muli %scan3A_42, %mul3A_67 : i32
      %add3A_69 = arith.constant 3 : i32
      %add3A_70 = arith.addi %mul3A_68, %add3A_69 : i32
      %lt3A_71 = arith.cmpi slt, %add3A_70, %select_n3A : i32
      %convert_element_type3A_72 = arith.extui %lt3A_71 : i1 to i32
      %cond3A_73 = arith.constant 0 : i32
      %cond3A_74 = arith.cmpi ne, %convert_element_type3A_72, %cond3A_73 : i32
      scf.if %cond3A_74 {
        %ge3A_75 = arith.constant 2 : i32
        %ge3A_76 = arith.cmpi sge, %add3A_70, %ge3A_75 : i32
        %convert_element_type3A_77 = arith.extui %ge3A_76 : i1 to i32
        %cond3A_78 = arith.constant 0 : i32
        %cond3A_79 = arith.cmpi ne, %convert_element_type3A_77, %cond3A_78 : i32
        scf.if %cond3A_79 {
          %sub3A_112 = arith.constant 2 : i32
          %sub3A_113 = arith.subi %add3A_70, %sub3A_112 : i32
          %add3A_114 = arith.addi %sub3A_5, %sub3A_113 : i32
          %mul3A_115 = arith.constant 200 : i32
          %mul3A_116 = arith.muli %add3A_114, %mul3A_115 : i32
          %multiple_of3A_117 = tpu.assume_multiple %mul3A_116, 8 : i32
          %dma_wait3A_118 = arith.constant 1 : i32
          %dma_wait3A_119 = arith.constant 0 : i32
          %dma_wait3A_120 = arith.constant 0 : i32
          %dma_wait3A_121 = tpu.memref_slice %arg6[%dma_wait3A_118, %dma_wait3A_119, %dma_wait3A_120] : memref<4x200x128xf32, #tpu.memory_space<vmem>> -> memref<1x200x128xf32, #tpu.memory_space<vmem>>
          %dma_wait3A_122 = tpu.memref_squeeze %dma_wait3A_121 : memref<1x200x128xf32, #tpu.memory_space<vmem>> -> memref<200x128xf32, #tpu.memory_space<vmem>>
          %dma_wait3A_123 = arith.constant 0 : i32
          %dma_wait3A_124 = tpu.memref_slice %arg4[%multiple_of3A_117, %dma_wait3A_123] : memref<100000x128xf32, #tpu.memory_space<hbm>> -> memref<200x128xf32, #tpu.memory_space<hbm>>
          %dma_wait3A_125 = arith.constant 0 : i32
          %dma_wait3A_126 = tpu.memref_slice %arg4[%multiple_of3A_117, %dma_wait3A_125] : memref<100000x128xf32, #tpu.memory_space<hbm>> -> memref<200x128xf32, #tpu.memory_space<hbm>>
          %dma_wait3A_127 = arith.constant 0 : i32
          %dma_wait3A_128 = arith.constant 0 : i32
          %dma_wait3A_129 = tpu.memref_slice %arg6[%dma_wait3A_118, %dma_wait3A_127, %dma_wait3A_128] : memref<4x200x128xf32, #tpu.memory_space<vmem>> -> memref<1x200x128xf32, #tpu.memory_space<vmem>>
          %dma_wait3A_130 = tpu.memref_squeeze %dma_wait3A_129 : memref<1x200x128xf32, #tpu.memory_space<vmem>> -> memref<200x128xf32, #tpu.memory_space<vmem>>
          tpu.wait_dma2 semaphore(%arg13 : memref<!tpu.dma_semaphore, #tpu.memory_space<semaphore_mem>>) src(%dma_wait3A_130 : memref<200x128xf32, #tpu.memory_space<vmem>>) dst(%dma_wait3A_126 : memref<200x128xf32, #tpu.memory_space<hbm>>)
        } else {
        }
        %add3A_80 = arith.constant 2 : i32
        %add3A_81 = arith.addi %add3A_70, %add3A_80 : i32
        %lt3A_82 = arith.cmpi slt, %add3A_81, %select_n3A : i32
        %convert_element_type3A_83 = arith.extui %lt3A_82 : i1 to i32
        %cond3A_84 = arith.constant 0 : i32
        %cond3A_85 = arith.cmpi ne, %convert_element_type3A_83, %cond3A_84 : i32
        scf.if %cond3A_85 {
          %mul3A_112 = arith.constant 200 : i32
          %mul3A_113 = arith.muli %add3A_81, %mul3A_112 : i32
          %multiple_of3A_114 = tpu.assume_multiple %mul3A_113, 8 : i32
          %dma_start3A_115 = arith.constant 1 : i32
          %dma_start3A_116 = arith.constant 0 : i32
          %dma_start3A_117 = arith.constant 0 : i32
          %dma_start3A_118 = tpu.memref_slice %arg6[%dma_start3A_115, %dma_start3A_116, %dma_start3A_117] : memref<4x200x128xf32, #tpu.memory_space<vmem>> -> memref<1x200x128xf32, #tpu.memory_space<vmem>>
          %dma_start3A_119 = tpu.memref_squeeze %dma_start3A_118 : memref<1x200x128xf32, #tpu.memory_space<vmem>> -> memref<200x128xf32, #tpu.memory_space<vmem>>
          %dma_start3A_120 = tpu.memref_slice %arg5[%multiple_of3A_114] : memref<3200xi32, #tpu.memory_space<vmem>> -> memref<200xi32, #tpu.memory_space<vmem>>
          %dma_start3A_121 = arith.constant 0 : i32
          %dma_start3A_122 = arith.constant 0 : i32
          %dma_start3A_123 = tpu.memref_slice %arg7[%dma_start3A_121, %dma_start3A_122] : memref<100x128xf32, #tpu.memory_space<vmem_shared>> -> memref<100x128xf32, #tpu.memory_space<vmem_shared>>
          tpu.enqueue_indirect_dma source(%dma_start3A_123 : memref<100x128xf32, #tpu.memory_space<vmem_shared>>) target(%dma_start3A_119 : memref<200x128xf32, #tpu.memory_space<vmem>>) offsets(%dma_start3A_120 : memref<200xi32, #tpu.memory_space<vmem>>) semaphore(%arg9 : memref<!tpu.dma_semaphore, #tpu.memory_space<semaphore_mem>>)
        } else {
        }
        %mul3A_86 = arith.constant 200 : i32
        %mul3A_87 = arith.muli %add3A_70, %mul3A_86 : i32
        %multiple_of3A = tpu.assume_multiple %mul3A_87, 8 : i32
        %dma_wait3A = arith.constant 3 : i32
        %dma_wait3A_88 = arith.constant 0 : i32
        %dma_wait3A_89 = arith.constant 0 : i32
        %dma_wait3A_90 = tpu.memref_slice %arg6[%dma_wait3A, %dma_wait3A_88, %dma_wait3A_89] : memref<4x200x128xf32, #tpu.memory_space<vmem>> -> memref<1x200x128xf32, #tpu.memory_space<vmem>>
        %dma_wait3A_91 = tpu.memref_squeeze %dma_wait3A_90 : memref<1x200x128xf32, #tpu.memory_space<vmem>> -> memref<200x128xf32, #tpu.memory_space<vmem>>
        %dma_wait3A_92 = tpu.memref_slice %arg5[%multiple_of3A] : memref<3200xi32, #tpu.memory_space<vmem>> -> memref<200xi32, #tpu.memory_space<vmem>>
        %dma_wait3A_93 = arith.constant 0 : i32
        %dma_wait3A_94 = arith.constant 0 : i32
        %dma_wait3A_95 = tpu.memref_slice %arg7[%dma_wait3A_93, %dma_wait3A_94] : memref<100x128xf32, #tpu.memory_space<vmem_shared>> -> memref<100x128xf32, #tpu.memory_space<vmem_shared>>
        tpu.wait_indirect_dma semaphore(%arg11 : memref<!tpu.dma_semaphore, #tpu.memory_space<semaphore_mem>>) src(%dma_wait3A_95 : memref<100x128xf32, #tpu.memory_space<vmem_shared>>) dst(%dma_wait3A_91 : memref<200x128xf32, #tpu.memory_space<vmem>>)
        %add3A_96 = arith.addi %sub3A_5, %add3A_70 : i32
        %mul3A_97 = arith.constant 200 : i32
        %mul3A_98 = arith.muli %add3A_96, %mul3A_97 : i32
        %multiple_of3A_99 = tpu.assume_multiple %mul3A_98, 8 : i32
        %dma_start3A = arith.constant 3 : i32
        %dma_start3A_100 = arith.constant 0 : i32
        %dma_start3A_101 = arith.constant 0 : i32
        %dma_start3A_102 = tpu.memref_slice %arg6[%dma_start3A, %dma_start3A_100, %dma_start3A_101] : memref<4x200x128xf32, #tpu.memory_space<vmem>> -> memref<1x200x128xf32, #tpu.memory_space<vmem>>
        %dma_start3A_103 = tpu.memref_squeeze %dma_start3A_102 : memref<1x200x128xf32, #tpu.memory_space<vmem>> -> memref<200x128xf32, #tpu.memory_space<vmem>>
        %dma_start3A_104 = arith.constant 0 : i32
        %dma_start3A_105 = tpu.memref_slice %arg4[%multiple_of3A_99, %dma_start3A_104] : memref<100000x128xf32, #tpu.memory_space<hbm>> -> memref<200x128xf32, #tpu.memory_space<hbm>>
        %dma_start3A_106 = arith.constant 0 : i32
        %dma_start3A_107 = tpu.memref_slice %arg4[%multiple_of3A_99, %dma_start3A_106] : memref<100000x128xf32, #tpu.memory_space<hbm>> -> memref<200x128xf32, #tpu.memory_space<hbm>>
        %dma_start3A_108 = arith.constant 0 : i32
        %dma_start3A_109 = arith.constant 0 : i32
        %dma_start3A_110 = tpu.memref_slice %arg6[%dma_start3A, %dma_start3A_108, %dma_start3A_109] : memref<4x200x128xf32, #tpu.memory_space<vmem>> -> memref<1x200x128xf32, #tpu.memory_space<vmem>>
        %dma_start3A_111 = tpu.memref_squeeze %dma_start3A_110 : memref<1x200x128xf32, #tpu.memory_space<vmem>> -> memref<200x128xf32, #tpu.memory_space<vmem>>
        tpu.enqueue_dma source(%dma_start3A_111 : memref<200x128xf32, #tpu.memory_space<vmem>>) target(%dma_start3A_107 : memref<200x128xf32, #tpu.memory_space<hbm>>) target_semaphore(%arg15 : memref<!tpu.dma_semaphore, #tpu.memory_space<semaphore_mem>>)
      } else {
      }
    }
    %scan3A_31 = arith.constant 4 : i32
    %lt3A_32 = arith.constant 20 : i32
    %lt3A_33 = arith.cmpi slt, %add3A, %lt3A_32 : i32
    %convert_element_type3A_34 = arith.extui %lt3A_33 : i1 to i32
    %cond3A_35 = arith.constant 0 : i32
    %cond3A_36 = arith.cmpi ne, %convert_element_type3A_34, %cond3A_35 : i32
    scf.if %cond3A_36 {
      %add3A_42 = arith.constant 14 : i32
      %add3A_43 = arith.addi %sub3A_5, %add3A_42 : i32
      %mul3A_44 = arith.constant 200 : i32
      %mul3A_45 = arith.muli %add3A_43, %mul3A_44 : i32
      %multiple_of3A = tpu.assume_multiple %mul3A_45, 8 : i32
      %dma_wait3A = arith.constant 2 : i32
      %dma_wait3A_46 = arith.constant 0 : i32
      %dma_wait3A_47 = arith.constant 0 : i32
      %dma_wait3A_48 = tpu.memref_slice %arg6[%dma_wait3A, %dma_wait3A_46, %dma_wait3A_47] : memref<4x200x128xf32, #tpu.memory_space<vmem>> -> memref<1x200x128xf32, #tpu.memory_space<vmem>>
      %dma_wait3A_49 = tpu.memref_squeeze %dma_wait3A_48 : memref<1x200x128xf32, #tpu.memory_space<vmem>> -> memref<200x128xf32, #tpu.memory_space<vmem>>
      %dma_wait3A_50 = arith.constant 0 : i32
      %dma_wait3A_51 = tpu.memref_slice %arg4[%multiple_of3A, %dma_wait3A_50] : memref<100000x128xf32, #tpu.memory_space<hbm>> -> memref<200x128xf32, #tpu.memory_space<hbm>>
      %dma_wait3A_52 = arith.constant 0 : i32
      %dma_wait3A_53 = tpu.memref_slice %arg4[%multiple_of3A, %dma_wait3A_52] : memref<100000x128xf32, #tpu.memory_space<hbm>> -> memref<200x128xf32, #tpu.memory_space<hbm>>
      %dma_wait3A_54 = arith.constant 0 : i32
      %dma_wait3A_55 = arith.constant 0 : i32
      %dma_wait3A_56 = tpu.memref_slice %arg6[%dma_wait3A, %dma_wait3A_54, %dma_wait3A_55] : memref<4x200x128xf32, #tpu.memory_space<vmem>> -> memref<1x200x128xf32, #tpu.memory_space<vmem>>
      %dma_wait3A_57 = tpu.memref_squeeze %dma_wait3A_56 : memref<1x200x128xf32, #tpu.memory_space<vmem>> -> memref<200x128xf32, #tpu.memory_space<vmem>>
      tpu.wait_dma2 semaphore(%arg14 : memref<!tpu.dma_semaphore, #tpu.memory_space<semaphore_mem>>) src(%dma_wait3A_57 : memref<200x128xf32, #tpu.memory_space<vmem>>) dst(%dma_wait3A_53 : memref<200x128xf32, #tpu.memory_space<hbm>>)
      %add3A_58 = arith.constant 15 : i32
      %add3A_59 = arith.addi %sub3A_5, %add3A_58 : i32
      %mul3A_60 = arith.constant 200 : i32
      %mul3A_61 = arith.muli %add3A_59, %mul3A_60 : i32
      %multiple_of3A_62 = tpu.assume_multiple %mul3A_61, 8 : i32
      %dma_wait3A_63 = arith.constant 3 : i32
      %dma_wait3A_64 = arith.constant 0 : i32
      %dma_wait3A_65 = arith.constant 0 : i32
      %dma_wait3A_66 = tpu.memref_slice %arg6[%dma_wait3A_63, %dma_wait3A_64, %dma_wait3A_65] : memref<4x200x128xf32, #tpu.memory_space<vmem>> -> memref<1x200x128xf32, #tpu.memory_space<vmem>>
      %dma_wait3A_67 = tpu.memref_squeeze %dma_wait3A_66 : memref<1x200x128xf32, #tpu.memory_space<vmem>> -> memref<200x128xf32, #tpu.memory_space<vmem>>
      %dma_wait3A_68 = arith.constant 0 : i32
      %dma_wait3A_69 = tpu.memref_slice %arg4[%multiple_of3A_62, %dma_wait3A_68] : memref<100000x128xf32, #tpu.memory_space<hbm>> -> memref<200x128xf32, #tpu.memory_space<hbm>>
      %dma_wait3A_70 = arith.constant 0 : i32
      %dma_wait3A_71 = tpu.memref_slice %arg4[%multiple_of3A_62, %dma_wait3A_70] : memref<100000x128xf32, #tpu.memory_space<hbm>> -> memref<200x128xf32, #tpu.memory_space<hbm>>
      %dma_wait3A_72 = arith.constant 0 : i32
      %dma_wait3A_73 = arith.constant 0 : i32
      %dma_wait3A_74 = tpu.memref_slice %arg6[%dma_wait3A_63, %dma_wait3A_72, %dma_wait3A_73] : memref<4x200x128xf32, #tpu.memory_space<vmem>> -> memref<1x200x128xf32, #tpu.memory_space<vmem>>
      %dma_wait3A_75 = tpu.memref_squeeze %dma_wait3A_74 : memref<1x200x128xf32, #tpu.memory_space<vmem>> -> memref<200x128xf32, #tpu.memory_space<vmem>>
      tpu.wait_dma2 semaphore(%arg15 : memref<!tpu.dma_semaphore, #tpu.memory_space<semaphore_mem>>) src(%dma_wait3A_75 : memref<200x128xf32, #tpu.memory_space<vmem>>) dst(%dma_wait3A_71 : memref<200x128xf32, #tpu.memory_space<hbm>>)
    } else {
    }
    %ge3A_37 = arith.constant 20 : i32
    %ge3A_38 = arith.cmpi sge, %add3A, %ge3A_37 : i32
    %convert_element_type3A_39 = arith.extui %ge3A_38 : i1 to i32
    %cond3A_40 = arith.constant 0 : i32
    %cond3A_41 = arith.cmpi ne, %convert_element_type3A_39, %cond3A_40 : i32
    scf.if %cond3A_41 {
      %add3A_42 = arith.constant 13 : i32
      %add3A_43 = arith.addi %sub3A_5, %add3A_42 : i32
      %mul3A_44 = arith.constant 200 : i32
      %mul3A_45 = arith.muli %add3A_43, %mul3A_44 : i32
      %multiple_of3A = tpu.assume_multiple %mul3A_45, 8 : i32
      %dma_wait3A = arith.constant 1 : i32
      %dma_wait3A_46 = arith.constant 0 : i32
      %dma_wait3A_47 = arith.constant 0 : i32
      %dma_wait3A_48 = tpu.memref_slice %arg6[%dma_wait3A, %dma_wait3A_46, %dma_wait3A_47] : memref<4x200x128xf32, #tpu.memory_space<vmem>> -> memref<1x200x128xf32, #tpu.memory_space<vmem>>
      %dma_wait3A_49 = tpu.memref_squeeze %dma_wait3A_48 : memref<1x200x128xf32, #tpu.memory_space<vmem>> -> memref<200x128xf32, #tpu.memory_space<vmem>>
      %dma_wait3A_50 = arith.constant 0 : i32
      %dma_wait3A_51 = tpu.memref_slice %arg4[%multiple_of3A, %dma_wait3A_50] : memref<100000x128xf32, #tpu.memory_space<hbm>> -> memref<200x128xf32, #tpu.memory_space<hbm>>
      %dma_wait3A_52 = arith.constant 0 : i32
      %dma_wait3A_53 = tpu.memref_slice %arg4[%multiple_of3A, %dma_wait3A_52] : memref<100000x128xf32, #tpu.memory_space<hbm>> -> memref<200x128xf32, #tpu.memory_space<hbm>>
      %dma_wait3A_54 = arith.constant 0 : i32
      %dma_wait3A_55 = arith.constant 0 : i32
      %dma_wait3A_56 = tpu.memref_slice %arg6[%dma_wait3A, %dma_wait3A_54, %dma_wait3A_55] : memref<4x200x128xf32, #tpu.memory_space<vmem>> -> memref<1x200x128xf32, #tpu.memory_space<vmem>>
      %dma_wait3A_57 = tpu.memref_squeeze %dma_wait3A_56 : memref<1x200x128xf32, #tpu.memory_space<vmem>> -> memref<200x128xf32, #tpu.memory_space<vmem>>
      tpu.wait_dma2 semaphore(%arg13 : memref<!tpu.dma_semaphore, #tpu.memory_space<semaphore_mem>>) src(%dma_wait3A_57 : memref<200x128xf32, #tpu.memory_space<vmem>>) dst(%dma_wait3A_53 : memref<200x128xf32, #tpu.memory_space<hbm>>)
      %add3A_58 = arith.constant 14 : i32
      %add3A_59 = arith.addi %sub3A_5, %add3A_58 : i32
      %mul3A_60 = arith.constant 200 : i32
      %mul3A_61 = arith.muli %add3A_59, %mul3A_60 : i32
      %multiple_of3A_62 = tpu.assume_multiple %mul3A_61, 8 : i32
      %dma_wait3A_63 = arith.constant 2 : i32
      %dma_wait3A_64 = arith.constant 0 : i32
      %dma_wait3A_65 = arith.constant 0 : i32
      %dma_wait3A_66 = tpu.memref_slice %arg6[%dma_wait3A_63, %dma_wait3A_64, %dma_wait3A_65] : memref<4x200x128xf32, #tpu.memory_space<vmem>> -> memref<1x200x128xf32, #tpu.memory_space<vmem>>
      %dma_wait3A_67 = tpu.memref_squeeze %dma_wait3A_66 : memref<1x200x128xf32, #tpu.memory_space<vmem>> -> memref<200x128xf32, #tpu.memory_space<vmem>>
      %dma_wait3A_68 = arith.constant 0 : i32
      %dma_wait3A_69 = tpu.memref_slice %arg4[%multiple_of3A_62, %dma_wait3A_68] : memref<100000x128xf32, #tpu.memory_space<hbm>> -> memref<200x128xf32, #tpu.memory_space<hbm>>
      %dma_wait3A_70 = arith.constant 0 : i32
      %dma_wait3A_71 = tpu.memref_slice %arg4[%multiple_of3A_62, %dma_wait3A_70] : memref<100000x128xf32, #tpu.memory_space<hbm>> -> memref<200x128xf32, #tpu.memory_space<hbm>>
      %dma_wait3A_72 = arith.constant 0 : i32
      %dma_wait3A_73 = arith.constant 0 : i32
      %dma_wait3A_74 = tpu.memref_slice %arg6[%dma_wait3A_63, %dma_wait3A_72, %dma_wait3A_73] : memref<4x200x128xf32, #tpu.memory_space<vmem>> -> memref<1x200x128xf32, #tpu.memory_space<vmem>>
      %dma_wait3A_75 = tpu.memref_squeeze %dma_wait3A_74 : memref<1x200x128xf32, #tpu.memory_space<vmem>> -> memref<200x128xf32, #tpu.memory_space<vmem>>
      tpu.wait_dma2 semaphore(%arg14 : memref<!tpu.dma_semaphore, #tpu.memory_space<semaphore_mem>>) src(%dma_wait3A_75 : memref<200x128xf32, #tpu.memory_space<vmem>>) dst(%dma_wait3A_71 : memref<200x128xf32, #tpu.memory_space<hbm>>)
    } else {
    }
    return
  }
}

</mosaic_0001>

<sc_bundles>
// kernel: _gather_sc.3.cloned.1.call-start
scs
__scs_entry_jumppad:
0x0: {  	(pc) =	sbr.rel $0x88, $3  }
0x1: {  	(tag) =	ssettag $0x0;
	lr =	simm.s32 $0x1  }
0x2: {  	[smem:$0x3F9F] =	sst lr;
	_ =	strace $0xD0000000  }
0x3: {  	_ = 	snop  }
0x4: {  	_ = 	snop  }
0x5: {  	_ = 	snop  }
0x6: {  	_ = 	snop  }
0x7: {  	_ = 	snop  }
__scs_overlays_trampoline_lowered:
0x8: {  	[smem:$0x3FAE] =	sst s0  }
0x9: {  	[smem:$0x3FAF] =	sst s1  }
0xa: {  	[smem:$0x3FB0] =	sst s2  }
0xb: {  	[smem:$0x3FB1] =	sst s3  }
0xc: {  	[smem:$0x3FB2] =	sst s4  }
0xd: {  	[smem:$0x3FB3] =	sst s5  }
0xe: {  	[smem:$0x3FB4] =	sst s6  }
0xf: {  	[smem:$0x3FB5] =	sst s7  }
0x10: {  	[smem:$0x3FB6] =	sst s8  }
0x11: {  	[smem:$0x3FB7] =	sst s9;
	s0 =	simm.s32 @!p0 $0x0  }
0x12: {  	s1 =	sld [smem:$0x3F9D];
	s0 =	simm.s32 @p0 $0x1  }
0x13: {  	[smem:$0x3FB8] =	sst s0;
	s0 =	simm.s32 @!p1 $0x0  }
0x14: {  	s2 =	sld [smem:$0x3F9C];
	s0 =	simm.s32 @p1 $0x1  }
0x15: {  	[smem:$0x3FB9] =	sst s0;
	s0 =	simm.s32 @!p2 $0x0  }
0x16: {  	s3 =	sld [smem:$0x3FDB];
	s0 =	simm.s32 @p2 $0x1  }
0x17: {  	s4 =	simm.s32 $0x1BF5;
	[smem:$0x3FBB] =	sst s0  }
0x18: {  	s0 =	sld [smem:$0x3F9E];
	_ =	swait.ge [sflag:s4], $0x0  }
0x19: {  	s7 =	sld [smem:$0x3F9F]  }
0x1a: {  	s8 =	sadd.s32 $0xFFFFE003, lr  }
0x1b: {  	s9 =	sadd.s32 $0xFFFFFEF7, lr;
	s5 =	simm.s32 $0xFFFFFFFF;
	p2 =	slt.u32 s8, $0xFFFFF086  }
0x1c: {  	p1 =	slt.u32 s9, $0xF7A;
	s5 =	simm.s32 @!p2 $0x0  }
0x1d: {  	s5 =	simm.s32 @p1 $0x1;
	p0 =	seq.s32 s7, s2  }
0x1e: {  	s7 =	smul.u32 @!p0 $0xF7A, s2;
	p2 =	seq.s32 @!p0 s5, $0x0  }
0x1f: {  	s9 =	smul.u32 $0xF7A, s1;
	s8 =	simm.s32 @!p0 $0x1BF5;
	p2 =	por !p2, p0  }
0x20: {  	[sflag:s8] =	ssyncset.s32 @!p0 $0xFFFFF086;
	s6 =	sadd.s32 @!p0 s3, s7;
	s7 =	simm.s32 @!p0 $0x108  }
0x21: {  	s3 =	sadd.s32 s3, s9;
	s6 =	sadd.s32 @!p0 $0x88, s6;
	s7 =	simm.s32 @p2 $0x1082  }
0x22: {  	[simem:s7], [sflag:s8] =	dma.local @!p0 [hbm:s6], $0xF7A  }
0x23: {  	s9 =	sor.u32 $0xD0000000, s2;
	s6 =	simm.s32 $0x108;
	_ =	swait.ge @!p0 [sflag:s8], $0x0  }
0x24: {  	s3 =	sadd.s32 $0x88, s3;
	s6 =	simm.s32 @!p1 $0x1082;
	[sflag:s4] =	ssyncset.s32 $0xFFFFF086  }
0x25: {  	[simem:s6], [sflag:s4] =	dma.local [hbm:s3], $0xF7A  }
0x26: {  	[smem:$0x3F9F] =	sst s1;
	(tag) =	ssettag s2;
	_ =	strace s9  }
0x27: {  	s1 =	sld [smem:$0x3FAF]  }
0x28: {  	s2 =	sld [smem:$0x3FB0]  }
0x29: {  	s4 =	sld [smem:$0x3FB2]  }
0x2a: {  	p0 =	seq.s32 s5, $0x0;
	s5 =	sld [smem:$0x3FB3]  }
0x2b: {  	s6 =	sld [smem:$0x3FB4]  }
0x2c: {  	s7 =	sld [smem:$0x3FB5]  }
0x2d: {  	s3 =	simm.s32 $0x108;
	s8 =	sld [smem:$0x3FB6]  }
0x2e: {  	s3 =	simm.s32 @!p0 $0x1082;
	s9 =	sld [smem:$0x3FB7]  }
0x2f: {  	lr =	sadd.s32 s0, s3;
	s0 =	sld [smem:$0x3FAE]  }
0x30: {  	s3 =	sld [smem:$0x3FB1]  }
0x31: {  	[smem:$0x3FBA] =	sst s10  }
0x32: {  	s10 =	sld [smem:$0x3FB8];
	_ =	sdelay $0x3  }
0x33: {  	p0 =	seq.s32 s10, $0x1;
	s10 =	sld [smem:$0x3FBA];
	_ =	sdelay $0x3  }
0x34: {  	[smem:$0x3FBA] =	sst s10  }
0x35: {  	s10 =	sld [smem:$0x3FB9];
	_ =	sdelay $0x3  }
0x36: {  	p1 =	seq.s32 s10, $0x1;
	s10 =	sld [smem:$0x3FBA];
	_ =	sdelay $0x3  }
0x37: {  	[smem:$0x3FBA] =	sst s10  }
0x38: {  	s10 =	sld [smem:$0x3FBB]  }
0x39: {  	_ = 	snop;
	(pc) =	sbr.ind lr, $3  }
0x3a: {  	_ = 	snop  }
0x3b: {  	_ = 	snop  }
0x3c: {  	p2 =	seq.s32 s10, $0x1;
	s10 =	sld [smem:$0x3FBA]  }
0x3d: {  	_ =	shalt  }
0x3e: {  	_ =	shalt  }
0x3f: {  	_ =	shalt  }
0x40: {  	_ =	shalt  }
0x41: {  	_ =	shalt  }
0x42: {  	_ =	shalt  }
0x43: {  	_ =	shalt  }
0x44: {  	_ =	shalt  }
0x45: {  	_ =	shalt  }
0x46: {  	_ =	shalt  }
0x47: {  	_ =	shalt  }
0x48: {  	_ =	shalt  }
0x49: {  	_ =	shalt  }
0x4a: {  	_ =	shalt  }
0x4b: {  	_ =	shalt  }
0x4c: {  	_ =	shalt  }
0x4d: {  	_ =	shalt  }
0x4e: {  	_ =	shalt  }
0x4f: {  	_ =	shalt  }
0x50: {  	_ =	shalt  }
0x51: {  	_ =	shalt  }
0x52: {  	_ =	shalt  }
0x53: {  	_ =	shalt  }
0x54: {  	_ =	shalt  }
0x55: {  	_ =	shalt  }
0x56: {  	_ =	shalt  }
0x57: {  	_ =	shalt  }
0x58: {  	_ =	shalt  }
0x59: {  	_ =	shalt  }
0x5a: {  	_ =	shalt  }
0x5b: {  	_ =	shalt  }
0x5c: {  	_ =	shalt  }
0x5d: {  	_ =	shalt  }
0x5e: {  	_ =	shalt  }
0x5f: {  	_ =	shalt  }
0x60: {  	_ =	shalt  }
0x61: {  	_ =	shalt  }
0x62: {  	_ =	shalt  }
0x63: {  	_ =	shalt  }
0x64: {  	_ =	shalt  }
0x65: {  	_ =	shalt  }
0x66: {  	_ =	shalt  }
0x67: {  	_ =	shalt  }
0x68: {  	_ =	shalt  }
0x69: {  	_ =	shalt  }
0x6a: {  	_ =	shalt  }
0x6b: {  	_ =	shalt  }
0x6c: {  	_ =	shalt  }
0x6d: {  	_ =	shalt  }
0x6e: {  	_ =	shalt  }
0x6f: {  	_ =	shalt  }
0x70: {  	_ =	shalt  }
0x71: {  	_ =	shalt  }
0x72: {  	_ =	shalt  }
0x73: {  	_ =	shalt  }
0x74: {  	_ =	shalt  }
0x75: {  	_ =	shalt  }
0x76: {  	_ =	shalt  }
0x77: {  	_ =	shalt  }
0x78: {  	_ =	shalt  }
0x79: {  	_ =	shalt  }
0x7a: {  	_ =	shalt  }
0x7b: {  	_ =	shalt  }
0x7c: {  	_ =	shalt  }
0x7d: {  	_ =	shalt  }
0x7e: {  	_ =	shalt  }
0x7f: {  	_ =	shalt  }
0x80: {  	_ =	shalt  }
0x81: {  	_ =	shalt  }
0x82: {  	_ =	shalt  }
0x83: {  	_ =	shalt  }
0x84: {  	_ =	shalt  }
0x85: {  	_ =	shalt  }
0x86: {  	_ =	shalt  }
0x87: {  	_ =	shalt  }
.Lfunc_end0:
.L_simem_size_0:
called_computation_lowered:
.L_overlay_start_0:
0x88: {  	s2 =	sld [smem:$0x3FD9]  }
0x89: {  	s3 =	sld [smem:$0x3FFE];
	_ =	sdelay $0x1  }
0x8a: {  	s1 =	srdreg.scid  }
0x8b: {  	s0 =	sand.u32 $0x1, s1  }
0x8c: {  	s18 =	sshll.u32 s0, $0xA;
	s2 =	sadd.s32 s3, s2  }
0x8d: {  	s2 =	sadd.s32 s2, s18  }
0x8e: {  	[smem:$0x3FC6] =	sst s2  }
0x8f: {  	_ = 	snop  }
0x90: {  	s2 =	sld [smem:$0x3FC9]  }
0x91: {  	s19 =	sld [smem:$0x3FC8]  }
0x92: {  	s4 =	sld [smem:$0x3FD0];
	(tm) =	ssettm $0x1  }
0x93: {  	s5 =	sld [smem:$0x3FFB];
	_ =	sdelay $0x3  }
0x94: {  	_ =	strace s5  }
0x95: {  	s5 =	sld [smem:$0x3FFC];
	_ =	sdelay $0x3  }
0x96: {  	_ =	strace s5  }
0x97: {  	s5 =	sld [smem:$0x3FFD];
	_ =	sdelay $0x3  }
0x98: {  	_ =	strace s5  }
0x99: {  	_ =	strace $0x8FFFFFFF  }
0x9a: {  	s20 =	sld [smem:$0x3FDB];
	_ =	sdelay $0x1  }
0x9b: {  	s6 =	simm.s32 $_scs_section_size  }
0x9c: {  	s7 =	simm.s32 $_size__tile_overlayer_lowered;
	s8 =	simm.s32 $_tile_overlayer_lowered  }
0x9d: {  	s23 =	simm.s32 $0x1BFF;
	s22 =	sshll.u32 s8, $0x1;
	s5 =	sadd.s32 s6, s20  }
0x9e: {  	s9 =	simm.s32 $0x0;
	s21 =	sshll.u32 s7, $0x1;
	s7 =	sadd.s32 s22, s5  }
0x9f: {  	[timem:s9], [sflag:s23] =	dma.local [hbm:s7], s21  }
0xa0: {  	_ =	swait.ge [sflag:s23], s21  }
0xa1: {  	s6 =	ssub.s32 $0x0, s21;
	[sflag:s23] =	ssyncset.done $0x0  }
0xa2: {  	[sflag:s23] =	ssyncadd.s32 s6;
	_ =	sdelay $0x1  }
0xa3: {  	s24 =	simm.s32 $0x1B8B  }
0xa4: {  	_ =	swait.ge [sflag:s24], $0x1  }
0xa5: {  	[sflag:s24] =	ssyncset.done $0x0  }
0xa6: {  	s25 =	simm.s32 $0x1B8E;
	[sflag:s24] =	ssyncadd.s32 $0xFFFFFFFF  }
0xa7: {  	s26 =	simm.s32 $execute0_lowered;
	[smem:$0x3FD2] =	sst s25  }
0xa8: {  	s6 =	sshll.u32 s26, $0x1;
	_ =	strace $0x80000046;
	[dreg:$0x1] =	wrdreg $0xFFFFFFFF  }
0xa9: {  	s28 =	simm.s32 $_size_execute0_lowered;
	s5 =	sadd.s32 s5, s6;
	[dreg:$0x0] =	wrdreg $0x0  }
0xaa: {  	s6 =	sshll.u32 s28, $0x1;
	[dreg:$0x2] =	wrdreg s5  }
0xab: {  	[dreg:$0x3] =	wrdreg s6  }
0xac: {  	[dreg:$0x4] =	wrdreg $0xC0  }
0xad: {  	_ =	task [dreg:s9], $0x5FFFF  }
0xae: {  	[dreg:$0x1] =	wrdreg $0xFFFFFFFF  }
0xaf: {  	[dreg:$0x0] =	wrdreg $0x60  }
0xb0: {  	[dreg:$0x2] =	wrdreg s19  }
0xb1: {  	[dreg:$0x3] =	wrdreg s2  }
0xb2: {  	[dreg:$0x4] =	wrdreg s4  }
0xb3: {  	[dreg:$0x5] =	wrdreg $0x19C800  }
0xb4: {  	[dreg:$0x6] =	wrdreg $0x9  }
0xb5: {  	_ =	task.clear_ibuf [dreg:s9], $0x7FFFF;
	_ =	strace $0x90000046  }
0xb6: {  	s29 =	simm.s32 $0x9;
	_ =	strace $0x80000048  }
0xb7: {  	_ =	swait.ge [sflag:s29], $0x1  }
0xb8: {  	[sflag:s29] =	ssyncadd.s32 $0xFFFFFFFF  }
0xb9: {  	_ =	strace $0x90000048  }
0xba: {  	_ =	sfence  }
0xbb: {  	s30 =	sld [smem:$0x0];
	_ =	sdelay $0x2  }
0xbc: {  	s31 =	sshll.u32 s1, $0xD;
	s1 =	sshrl.u32 s1, $0x2  }
0xbd: {  	s3 =	sand.u32 $0x4000, s31;
	s1 =	sadd.s32 s1, s30  }
0xbe: {  	s0 =	sor.u32 s3, s0;
	s1 =	sshll.u32 s1, $0x11  }
0xbf: {  	s0 =	sor.u32 s1, s0  }
0xc0: {  	s0 =	sadd.s32 $0x8F2B, s0  }
0xc1: {  	[sflag:s0] =	ssyncadd.remote.s32 $0x1  }
0xc2: {  	_ =	sfence.sel $0xFFFF  }
0xc3: {  	[dreg:$0x0] =	wrdreg $0xFFFFFFFF;
	(pc) =	sbr.abs _section_cstart, $3  }
0xc4: {  	[dreg:$0x1] =	wrdreg $0xFFFFFFFF  }
0xc5: {  	_ =	task.clear_ibuf [dreg:s9], $0x2FFFF;
	_ =	strace $0x9FFFFFFF  }
0xc6: {  	(tm) =	ssettm $0x7FFFFFFF  }
0xc7: {  	_ =	shalt  }
tec
execute0_lowered:
.L_overlay_start_1:
0x0: {  	(tag) =	ssettag $0x1  }
0x1: {  	s0 =	rddreg [dreg:$0x0]  }
0x2: {  	s1 =	srdreg.scid;
	s6 =	rddreg [dreg:$0x1]  }
0x3: {  	s15 =	stileid.u32;
	s2 =	rddreg [dreg:$0x2]  }
0x4: {  	s3 =	rddreg [dreg:$0x3];
	s4 =	simm.s32 $0x0;
	s12 =	simm.s32 $0xC8  }
0x5: {  	s13 =	simm.s32 $0xC80;
	s14 =	simm.s32 $0x7080;
	s5 =	sand.u32 $0x1, s1  }
0x6: {  	s30 =	sshll.u32 s15, $0x1;
	[smem:$0x7FF] =	sst s4;
	s11 =	smul.u32 $0xC8000, s15  }
0x7: {  	p0 =	slt.u32 s15, $0xA;
	p1 =	sgt.u32 s15, $0x9;
	s1 =	sor.u32 s5, s30  }
0x8: {  	s9 =	ssub.s32 $0x2, s5;
	s31 =	smul.u32 $0x64000, s5;
	s5 =	simm.s32 $0x10  }
0x9: {  	s7 =	sshll.u32 s1, $0x4;
	s8 =	smax.u32 s1, $0x14;
	s1 =	rddreg [dreg:$0x4]  }
0xa: {  	_ =	strace $0x80000047;
	s10 =	sshrl.u32 s9, $0x1;
	s7 =	ssub.s32 s7, s8  }
0xb: {  	s5 =	simm.s32 @!p0 $0xF;
	p0 =	sne.s32 s15, $0x0;
	s7 =	smul.u32 $0xC8, s7  }
0xc: {  	s15 =	simm.s32 $0x0;
	s9 =	ssub.s32 s9, s10;
	s8 =	smul.u32 $0x6400, s8  }
0xd: {  	s10 =	sadd.s32 s31, s11;
	s11 =	simm.s32 $0x9;
	s7 =	sadd.s32 $0xFA0, s7  }
0xe: {  	s8 =	ssub.s32 s10, s8;
	s10 =	simm.s32 $0x1C09;
	s7 =	sshrl.u32 s7, $0x3  }
0xf: {  	s6 =	sadd.s32 s6, s7;
	s7 =	smax.u32 s9, $0x1;
	s9 =	sshrl.u32 s3, $0x3  }
.LBB2_1:
.Ltmp0:
0x10: {  	(pc) =	sbr.rel @!p0 .LBB2_2-.Ltmp0, $1  }
0x11: {  	_ =	sdelay $0x3  }
.Ltmp1:
0x12: {  	(pc) =	sbr.rel @!p1 .LBB2_4-.Ltmp1, $1  }
0x13: {  	_ =	sdelay $0x3  }
.Ltmp2:
0x14: {  	(pc) =	sbr.rel .LBB2_6-.Ltmp2, $4  }
0x15: {  	[tilespmem:s4], [sflag:$0x9] =	stream.linear.gather [hbm4b:s6+s4], $0xBB8, $0x38;
	[tilespmem:$0x19FA0] =	vst v63  }
0x16: {  	_ =	swait.ge [sflag:s11], $0xBB8  }
0x17: {  	[sflag:s11] =	ssyncset.done $0x0  }
0x18: {  	p2 =	por $0x1, $0x1;
	[sflag:s11] =	ssyncadd.s32 $0xFFFFF448  }
.LBB2_2:
0x19: {  	[spmem:s9], [sflag:s10] =	dma.local [hbm:s0], $0x640  }
0x1a: {  	_ =	swait.ge [sflag:s11], $0x640  }
0x1b: {  	[sflag:s11] =	ssyncset.done $0x0  }
0x1c: {  	[sflag:s11] =	ssyncadd.s32 $0xFFFFF9C0  }
.LBB2_4:
0x1d: {  	[tilespmem:s4], [sflag:$0x9] =	stream.linear.gather [hbm4b:s6+s4], $0xC80, $0x38;
	[tilespmem:$0x19FA0] =	vst v63  }
0x1e: {  	_ =	swait.ge [sflag:s11], $0xC80  }
0x1f: {  	[sflag:s11] =	ssyncset.done $0x0  }
0x20: {  	p2 =	por $0x0, $0x0;
	[sflag:s11] =	ssyncadd.s32 $0xFFFFF380  }
.LBB2_6:
0x21: {  	[bflag:$0x0] =	sbarrier.arrive $0xFFFF;
	s16 =	simm.s32 $0x0;
	p4 =	sle.u32 s5, $0x0  }
0x22: {  	[tilespmem:s13], [sflag:$0x1] =	stream.indirect.gather [spmem:s3], $0x80, s16, s12, $0xb8;
	[tilespmem:$0x19FA0] =	vst v63  }
0x23: {  	p3 =	por @!p4 $0x1, $0x1  }
0x24: {  	p3 =	por p3, p4  }
0x25: {  	[tilespmem:s14], [sflag:$0x2] =	stream.indirect.gather [spmem:s3], $0x80, s12, s12, $0xb8;
	[tilespmem:$0x19FA0] =	vst v63  }
0x26: {  	s16 =	sadd.s32 @!p4 $0x7D000, s8;
	p5 =	sle.u32 @!p4 s5, $0x2;
	s17 =	simm.s32 @!p3 $0x7  }
0x27: {  	s19 =	simm.s32 @!p4 $0x1;
	p5 =	por p5, p4;
	_ =	swait.ge @!p3 [sflag:s17], $0x6400  }
0x28: {  	s16 =	sshrl.u32 @!p4 s16, $0x3;
	s18 =	simm.s32 @!p5 $0xD480;
	[sflag:s17] =	ssyncset.done @!p3 $0x0  }
0x29: {  	s20 =	simm.s32 @!p5 $0xC8;
	[sflag:s17] =	ssyncadd.s32 @!p3 $0xFFFF9C00;
	s17 =	simm.s32 @!p5 $0x190  }
0x2a: {  	[tilespmem:s18], [sflag:$0x3] =	stream.indirect.gather @!p5 [spmem:s3], $0x80, s17, s20, $0xb8;
	[tilespmem:$0x19FA0] =	vst v63  }
0x2b: {  	s16 =	sadd.s32 @!p4 s2, s16;
	p3 =	sle.u32 s5, $0x1;
	_ =	swait.ge @!p4 [sflag:s19], $0x6400  }
0x2c: {  	s17 =	simm.s32 @!p4 $0xC80;
	p5 =	por @!p3 $0x1, $0x1;
	[sflag:s19] =	ssyncset.done @!p4 $0x0  }
0x2d: {  	s18 =	simm.s32 @!p4 $0x0;
	p5 =	por p5, p3;
	[sflag:s19] =	ssyncadd.s32 @!p4 $0xFFFF9C00  }
0x2e: {  	[hbm4b:s16+s18] =	stream.linear.scatter @!p4 [tilespmem:s17], [sflag:$0x5], $0x6400, $0x38;
	[tilespmem:$0x19FA0] =	vst v63  }
0x2f: {  	s17 =	simm.s32 @!p5 $0x8;
	p4 =	sle.u32 @!p3 s5, $0x3  }
0x30: {  	s16 =	simm.s32 $0x258;
	_ =	swait.ge @!p5 [sflag:s17], $0x6400;
	p4 =	por p4, p3  }
0x31: {  	s18 =	sadd.s32 @!p3 $0x83400, s8;
	[sflag:s17] =	ssyncset.done @!p5 $0x0;
	s19 =	simm.s32 @!p4 $0xC8  }
0x32: {  	s20 =	simm.s32 @!p4 $0x13880;
	[sflag:s17] =	ssyncadd.s32 @!p5 $0xFFFF9C00;
	s17 =	simm.s32 @!p3 $0x2  }
0x33: {  	[tilespmem:s20], [sflag:$0x4] =	stream.indirect.gather @!p4 [spmem:s3], $0x80, s16, s19, $0xb8;
	[tilespmem:$0x19FA0] =	vst v63  }
0x34: {  	s18 =	sshrl.u32 @!p3 s18, $0x3;
	_ =	swait.ge @!p3 [sflag:s17], $0x6400  }
0x35: {  	p5 =	sle.u32 s5, $0x2;
	s16 =	sadd.s32 @!p3 s2, s18;
	[sflag:s17] =	ssyncset.done @!p3 $0x0  }
0x36: {  	s18 =	simm.s32 @!p3 $0x7080;
	s19 =	simm.s32 @!p3 $0x0;
	[sflag:s17] =	ssyncadd.s32 @!p3 $0xFFFF9C00  }
0x37: {  	[hbm4b:s16+s19] =	stream.linear.scatter @!p3 [tilespmem:s18], [sflag:$0x6], $0x6400, $0x38;
	[tilespmem:$0x19FA0] =	vst v63  }
0x38: {  	s20 =	simm.s32 @!p5 $0x3;
	s17 =	simm.s32 @!p5 $0x5;
	p3 =	sle.u32 @!p5 s5, $0x4  }
0x39: {  	s16 =	sadd.s32 @!p5 $0x89800, s8;
	_ =	swait.ge @!p5 [sflag:s17], $0x6400;
	p3 =	por p3, p5  }
0x3a: {  	s16 =	sshrl.u32 @!p5 s16, $0x3;
	[sflag:s17] =	ssyncset.done @!p5 $0x0;
	s18 =	simm.s32 @!p3 $0xC8  }
0x3b: {  	s19 =	simm.s32 @!p3 $0xC80;
	[sflag:s17] =	ssyncadd.s32 @!p5 $0xFFFF9C00;
	s17 =	simm.s32 @!p3 $0x320  }
0x3c: {  	[tilespmem:s19], [sflag:$0x1] =	stream.indirect.gather @!p3 [spmem:s3], $0x80, s17, s18, $0xb8;
	[tilespmem:$0x19FA0] =	vst v63  }
0x3d: {  	p4 =	sle.u32 s5, $0x3;
	s16 =	sadd.s32 @!p5 s2, s16;
	_ =	swait.ge @!p5 [sflag:s20], $0x6400  }
0x3e: {  	s17 =	simm.s32 @!p5 $0xD480;
	s18 =	simm.s32 @!p5 $0x0;
	[sflag:s20] =	ssyncset.done @!p5 $0x0  }
0x3f: {  	s19 =	simm.s32 @!p4 $0x6;
	p3 =	sle.u32 @!p4 s5, $0x5;
	[sflag:s20] =	ssyncadd.s32 @!p5 $0xFFFF9C00  }
0x40: {  	[hbm4b:s16+s18] =	stream.linear.scatter @!p5 [tilespmem:s17], [sflag:$0x7], $0x6400, $0x38;
	[tilespmem:$0x19FA0] =	vst v63  }
0x41: {  	p3 =	por p3, p4;
	_ =	swait.ge @!p4 [sflag:s19], $0x6400  }
0x42: {  	s16 =	simm.s32 @!p3 $0x3E8;
	[sflag:s19] =	ssyncset.done @!p4 $0x0  }
0x43: {  	s17 =	simm.s32 @!p3 $0xC8;
	s18 =	simm.s32 @!p3 $0x7080;
	[sflag:s19] =	ssyncadd.s32 @!p4 $0xFFFF9C00  }
0x44: {  	[tilespmem:s18], [sflag:$0x2] =	stream.indirect.gather @!p3 [spmem:s3], $0x80, s16, s17, $0xb8;
	[tilespmem:$0x19FA0] =	vst v63  }
0x45: {  	s22 =	simm.s32 @!p4 $0x4;
	s19 =	sadd.s32 @!p4 $0x8FC00, s8;
	s16 =	simm.s32 $0x4  }
0x46: {  	s17 =	sadd.s32 $0x19000, s8;
	s18 =	simm.s32 $0x578;
	s19 =	sshrl.u32 @!p4 s19, $0x3  }
.LBB2_7:
0x47: {  	_ =	swait.ge @!p4 [sflag:s22], $0x6400;
	s23 =	sadd.s32 @!p4 s2, s19;
	s21 =	smov.u32 s16  }
0x48: {  	s16 =	sadd.s32 $0x4, s16;
	s20 =	smov.u32 s17;
	s19 =	smov.u32 s18  }
0x49: {  	s24 =	simm.s32 @!p4 $0x0;
	s25 =	simm.s32 @!p4 $0x13880;
	[sflag:s22] =	ssyncset.done @!p4 $0x0  }
0x4a: {  	p3 =	sne.s32 s16, $0x10;
	[sflag:s22] =	ssyncadd.s32 @!p4 $0xFFFF9C00  }
0x4b: {  	[hbm4b:s23+s24] =	stream.linear.scatter @!p4 [tilespmem:s25], [sflag:$0x8], $0x6400, $0x38;
	[tilespmem:$0x19FA0] =	vst v63  }
0x4c: {  	s17 =	sadd.s32 $0x19000, s17;
	p5 =	sge.u32 s21, s5  }
0x4d: {  	s22 =	sadd.s32 @!p5 $0x2, s21;
	p4 =	seq.s32 @!p5 s21, $0x0;
	s23 =	sadd.s32 @!p5 $0x7D000, s20  }
0x4e: {  	p6 =	sge.u32 @!p5 s22, s5;
	p4 =	por p4, p5;
	s22 =	sshrl.u32 @!p5 s23, $0x3  }
0x4f: {  	p6 =	por p6, p5;
	s23 =	simm.s32 @!p4 $0x7;
	s22 =	sadd.s32 @!p5 s2, s22  }
0x50: {  	s18 =	sadd.s32 $0x320, s18;
	s24 =	sadd.s32 $0x1, s21;
	_ =	swait.ge @!p4 [sflag:s23], $0x6400  }
0x51: {  	s26 =	simm.s32 @!p5 $0x1;
	s25 =	simm.s32 @!p6 $0xD480;
	[sflag:s23] =	ssyncset.done @!p4 $0x0  }
0x52: {  	s28 =	simm.s32 @!p6 $0xC8;
	[sflag:s23] =	ssyncadd.s32 @!p4 $0xFFFF9C00;
	s23 =	sadd.s32 @!p6 $0xFFFFFF38, s19  }
0x53: {  	[tilespmem:s25], [sflag:$0x3] =	stream.indirect.gather @!p6 [spmem:s3], $0x80, s23, s28, $0xb8;
	[tilespmem:$0x19FA0] =	vst v63  }
0x54: {  	p4 =	sge.u32 s24, s5;
	s23 =	simm.s32 @!p5 $0xC80;
	_ =	swait.ge @!p5 [sflag:s26], $0x6400  }
0x55: {  	p6 =	seq.s32 @!p4 s21, $0x0;
	s24 =	sadd.s32 @!p4 $0x3, s21;
	[sflag:s26] =	ssyncset.done @!p5 $0x0  }
0x56: {  	s25 =	simm.s32 @!p5 $0x0;
	p6 =	por p6, p4;
	[sflag:s26] =	ssyncadd.s32 @!p5 $0xFFFF9C00  }
0x57: {  	[hbm4b:s22+s25] =	stream.linear.scatter @!p5 [tilespmem:s23], [sflag:$0x5], $0x6400, $0x38;
	[tilespmem:$0x19FA0] =	vst v63  }
0x58: {  	s22 =	simm.s32 @!p6 $0x8;
	p5 =	sge.u32 @!p4 s24, s5;
	s23 =	sadd.s32 @!p4 $0x83400, s20  }
0x59: {  	p5 =	por p5, p4;
	s23 =	sshrl.u32 @!p4 s23, $0x3;
	_ =	swait.ge @!p6 [sflag:s22], $0x6400  }
0x5a: {  	s24 =	simm.s32 @!p5 $0xC8;
	s25 =	simm.s32 @!p5 $0x13880;
	[sflag:s22] =	ssyncset.done @!p6 $0x0  }
0x5b: {  	s23 =	sadd.s32 @!p4 s2, s23;
	[sflag:s22] =	ssyncadd.s32 @!p6 $0xFFFF9C00;
	s22 =	simm.s32 @!p4 $0x2  }
0x5c: {  	[tilespmem:s25], [sflag:$0x4] =	stream.indirect.gather @!p5 [spmem:s3], $0x80, s19, s24, $0xb8;
	[tilespmem:$0x19FA0] =	vst v63  }
0x5d: {  	s24 =	simm.s32 @!p4 $0x7080;
	s25 =	sadd.s32 $0x2, s21;
	_ =	swait.ge @!p4 [sflag:s22], $0x6400  }
0x5e: {  	s26 =	simm.s32 @!p4 $0x0;
	p5 =	sge.u32 s25, s5;
	[sflag:s22] =	ssyncset.done @!p4 $0x0  }
0x5f: {  	s25 =	sadd.s32 @!p5 $0x4, s21;
	[sflag:s22] =	ssyncadd.s32 @!p4 $0xFFFF9C00;
	s22 =	simm.s32 @!p5 $0x5  }
0x60: {  	[hbm4b:s23+s26] =	stream.linear.scatter @!p4 [tilespmem:s24], [sflag:$0x6], $0x6400, $0x38;
	[tilespmem:$0x19FA0] =	vst v63  }
0x61: {  	p4 =	sge.u32 @!p5 s25, s5;
	s23 =	sadd.s32 @!p5 $0x89800, s20;
	_ =	swait.ge @!p5 [sflag:s22], $0x6400  }
0x62: {  	p4 =	por p4, p5;
	s23 =	sshrl.u32 @!p5 s23, $0x3;
	[sflag:s22] =	ssyncset.done @!p5 $0x0  }
0x63: {  	s24 =	simm.s32 @!p4 $0xC8;
	[sflag:s22] =	ssyncadd.s32 @!p5 $0xFFFF9C00;
	s22 =	sadd.s32 @!p4 $0xC8, s19  }
0x64: {  	s26 =	simm.s32 @!p5 $0x3;
	s25 =	simm.s32 @!p4 $0xC80;
	s23 =	sadd.s32 @!p5 s2, s23  }
0x65: {  	[tilespmem:s25], [sflag:$0x1] =	stream.indirect.gather @!p4 [spmem:s3], $0x80, s22, s24, $0xb8;
	[tilespmem:$0x19FA0] =	vst v63  }
0x66: {  	s22 =	simm.s32 @!p5 $0xD480;
	s24 =	sadd.s32 $0x3, s21;
	_ =	swait.ge @!p5 [sflag:s26], $0x6400  }
0x67: {  	s25 =	simm.s32 @!p5 $0x0;
	p4 =	sge.u32 s24, s5;
	[sflag:s26] =	ssyncset.done @!p5 $0x0  }
0x68: {  	s24 =	simm.s32 @!p4 $0x6;
	s21 =	sadd.s32 @!p4 $0x5, s21;
	[sflag:s26] =	ssyncadd.s32 @!p5 $0xFFFF9C00  }
0x69: {  	[hbm4b:s23+s25] =	stream.linear.scatter @!p5 [tilespmem:s22], [sflag:$0x7], $0x6400, $0x38;
	[tilespmem:$0x19FA0] =	vst v63  }
.Ltmp3:
0x6a: {  	p5 =	sge.u32 @!p4 s21, s5;
	_ =	swait.ge @!p4 [sflag:s24], $0x6400;
	(pc) =	sbr.rel @p3 .LBB2_7-.Ltmp3, $4  }
0x6b: {  	s20 =	sadd.s32 @!p4 $0x8FC00, s20;
	p5 =	por p5, p4;
	[sflag:s24] =	ssyncset.done @!p4 $0x0  }
0x6c: {  	s21 =	sadd.s32 @!p5 $0x190, s19;
	s23 =	simm.s32 @!p5 $0xC8;
	[sflag:s24] =	ssyncadd.s32 @!p4 $0xFFFF9C00  }
0x6d: {  	s22 =	simm.s32 @!p4 $0x4;
	s19 =	sshrl.u32 @!p4 s20, $0x3;
	s24 =	simm.s32 @!p5 $0x7080  }
0x6e: {  	[tilespmem:s24], [sflag:$0x2] =	stream.indirect.gather @!p5 [spmem:s3], $0x80, s21, s23, $0xb8;
	[tilespmem:$0x19FA0] =	vst v63  }
0x6f: {  	_ =	swait.ge @!p4 [sflag:s22], $0x6400  }
0x70: {  	s16 =	sadd.s32 @!p4 s2, s19;
	[sflag:s22] =	ssyncset.done @!p4 $0x0  }
0x71: {  	s17 =	simm.s32 @!p4 $0x0;
	s18 =	simm.s32 @!p4 $0x13880;
	[sflag:s22] =	ssyncadd.s32 @!p4 $0xFFFF9C00  }
0x72: {  	[hbm4b:s16+s17] =	stream.linear.scatter @!p4 [tilespmem:s18], [sflag:$0x8], $0x6400, $0x38;
	[tilespmem:$0x19FA0] =	vst v63  }
0x73: {  	s16 =	simm.s32 @!p1 $0x7  }
0x74: {  	_ =	swait.ge @!p1 [sflag:s16], $0x6400  }
0x75: {  	[sflag:s16] =	ssyncset.done @!p1 $0x0  }
0x76: {  	[sflag:s16] =	ssyncadd.s32 @!p1 $0xFFFF9C00;
	s16 =	simm.s32 @!p1 $0x8  }
0x77: {  	_ =	swait.ge @!p1 [sflag:s16], $0x6400  }
0x78: {  	[sflag:s16] =	ssyncset.done @!p1 $0x0  }
0x79: {  	s15 =	sadd.s32 $0x1, s15;
	[sflag:s16] =	ssyncadd.s32 @!p1 $0xFFFF9C00;
	s16 =	simm.s32 @p2 $0x6  }
0x7a: {  	p3 =	sne.s32 s15, s7;
	_ =	swait.ge @p2 [sflag:s16], $0x6400  }
.Ltmp4:
0x7b: {  	[sflag:s16] =	ssyncset.done @p2 $0x0;
	(pc) =	sbr.rel @p3 .LBB2_1-.Ltmp4, $4  }
0x7c: {  	[sflag:s16] =	ssyncadd.s32 @p2 $0xFFFF9C00;
	s16 =	simm.s32 @p2 $0x7  }
0x7d: {  	_ =	swait.ge @p2 [sflag:s16], $0x6400  }
0x7e: {  	[sflag:s16] =	ssyncset.done @p2 $0x0  }
0x7f: {  	[sflag:s16] =	ssyncadd.s32 @p2 $0xFFFF9C00  }
0x80: {  	_ =	sfence.sel $0x180000  }
0x81: {  	[bflag:$0x0] =	sbarrier.arrive $0xFFFF  }
0x82: {  	_ =	strace $0x90000047  }
0x83: {  	s0 =	sadd.s32 @!p0 $0x100000, s1;
	[bflag:$0x2] =	sbarrier.arrive $0xFFFF  }
0x84: {  	[sflag:s0] =	ssyncadd.tile.s32 @!p0 $0x1;
	_ =	shalt  }
.Lfunc_end2:
_tile_overlayer_lowered:
.L_overlay_start_2:
0x85: {  	(tag) =	ssettag $0x2  }
0x86: {  	s0 =	rddreg [dreg:$0x0];
	s2 =	stileid.u32  }
0x87: {  	s1 =	rddreg [dreg:$0x1];
	p0 =	sne.s32 s2, $0x0  }
0x88: {  	s3 =	rddreg [dreg:$0x2];
	[bflag:$0x3] =	sbarrier.arrive $0xFFFF;
	s2 =	simm.s32 @!p0 $0x1C09  }
0x89: {  	[timem:s3], [sflag:s2] =	dma.local @!p0 [hbm:s0], s1  }
0x8a: {  	s0 =	simm.s32 @!p0 $0x9  }
0x8b: {  	_ =	swait.ge @!p0 [sflag:s0], s1  }
0x8c: {  	s1 =	ssub.s32 @!p0 $0x0, s1;
	[sflag:s0] =	ssyncset.done @!p0 $0x0  }
0x8d: {  	[sflag:s0] =	ssyncadd.s32 @!p0 s1  }
0x8e: {  	[bflag:$0x3] =	sbarrier.arrive $0xFFFF  }
0x8f: {  	_ =	shalt  }

</sc_bundles>
